<compile_context>
chip_gen: v7x
topology: tpu7x:2x2x1
jax: 0.10.2.dev20260603
libtpu: 0.0.44.dev20260713+nightly
codegen_flags: <defaults>
</compile_context>

<pallas_src>
import functools

import jax
import jax.numpy as jnp
from jax import lax
from jax.experimental import pallas as pl
from jax.experimental.pallas import tpu as pltpu
from jax.experimental.pallas import tpu_sc as plsc

B = 16384
H = 200
V = 1002
VPAD = 1008
E = 4
L = 16
NC = 2
NS = 16
NW = NC * NS
ROWS_PER_W = B // NW
CHUNK = 128
NCHUNK = ROWS_PER_W // CHUNK
NLG = CHUNK // L

_mesh = plsc.VectorSubcoreMesh(core_axis_name="c", subcore_axis_name="s")


@functools.partial(
    pl.kernel,
    mesh=_mesh,
    out_type=jax.ShapeDtypeStruct((B,), jnp.float32),
    compiler_params=pltpu.CompilerParams(needs_layout_passes=False),
    scratch_types=[
        pltpu.VMEM((E, V), jnp.float32),
        pltpu.VMEM((E * L,), jnp.float32),
        pltpu.VMEM((VPAD,), jnp.float32),
        pltpu.VMEM((H, CHUNK), jnp.int32),
        pltpu.VMEM((H, CHUNK), jnp.int32),
        pltpu.VMEM((H, CHUNK), jnp.float32),
        pltpu.VMEM((H, CHUNK), jnp.float32),
        pltpu.VMEM((ROWS_PER_W,), jnp.float32),
        pltpu.SemaphoreType.DMA,
        pltpu.SemaphoreType.DMA,
    ],
)
def _dwc_kernel(idx_hbm, cnt_hbm, tab_hbm, w_hbm, out_hbm,
                tab_v, w_v, comb_v, idx0_v, idx1_v, cnt0_v, cnt1_v,
                res_v, sem0, sem1):
    cid = lax.axis_index("c")
    sid = lax.axis_index("s")
    wid = sid * NC + cid
    lanes = lax.iota(jnp.int32, L)
    zeros = jnp.zeros((L,), jnp.float32)

    pltpu.sync_copy(tab_hbm, tab_v)
    pltpu.sync_copy(w_hbm, w_v)

    erow = [jnp.full((L,), e, jnp.int32) for e in range(E)]
    wsplat = [w_v[pl.ds(e * L, L)] for e in range(E)]

    def fold_body(k, carry):
        base = k * L
        cols = base + lanes
        acc = zeros
        for e in range(E):
            acc = acc + plsc.load_gather(tab_v, [erow[e], cols]) * wsplat[e]
        comb_v[pl.ds(base, L)] = acc
        return carry

    lax.fori_loop(0, VPAD // L, fold_body, 0)

    col0 = wid * ROWS_PER_W

    def start_fetch(c, ibuf, cbuf, sem):
        n0 = col0 + jnp.minimum(c, NCHUNK - 1) * CHUNK
        pltpu.async_copy(idx_hbm.at[:, pl.ds(n0, CHUNK)], ibuf, sem)
        pltpu.async_copy(cnt_hbm.at[:, pl.ds(n0, CHUNK)], cbuf, sem)

    def wait_fetch(ibuf, cbuf, sem):
        pltpu.make_async_copy(idx_hbm.at[:, pl.ds(0, CHUNK)], ibuf, sem).wait()
        pltpu.make_async_copy(cnt_hbm.at[:, pl.ds(0, CHUNK)], cbuf, sem).wait()

    DUNROLL = 2

    def compute(c, ibuf, cbuf):
        def d_body(dd, accs):
            new = list(accs)
            for j in range(DUNROLL):
                d = dd * DUNROLL + j
                for lg in range(NLG):
                    ii = ibuf[d, pl.ds(lg * L, L)]
                    cc = cbuf[d, pl.ds(lg * L, L)]
                    vv = plsc.load_gather(comb_v, [ii])
                    new[lg] = new[lg] + cc * vv
            return tuple(new)

        accs = lax.fori_loop(0, H // DUNROLL, d_body, (zeros,) * NLG)
        for lg in range(NLG):
            res_v[pl.ds(c * CHUNK + lg * L, L)] = accs[lg]

    start_fetch(0, idx0_v, cnt0_v, sem0)

    def chunk_pair_body(c2, carry):
        c_even = c2 * 2
        start_fetch(c_even + 1, idx1_v, cnt1_v, sem1)
        wait_fetch(idx0_v, cnt0_v, sem0)
        compute(c_even, idx0_v, cnt0_v)
        start_fetch(c_even + 2, idx0_v, cnt0_v, sem0)
        wait_fetch(idx1_v, cnt1_v, sem1)
        compute(c_even + 1, idx1_v, cnt1_v)
        return carry

    lax.fori_loop(0, NCHUNK // 2, chunk_pair_body, 0)
    wait_fetch(idx0_v, cnt0_v, sem0)

    pltpu.sync_copy(res_v, out_hbm.at[pl.ds(col0, ROWS_PER_W)])


def kernel(domain_indices, counts, embd_weight, weights):
    idx_t = domain_indices.T
    cnt_t = counts.T
    tab_t = embd_weight.T
    w_bcast = jnp.broadcast_to(weights.reshape(E, 1), (E, L)).reshape(E * L)
    out = _dwc_kernel(idx_t, cnt_t, tab_t, w_bcast)
    return out.reshape(B, 1)

# --- scband reference (transcript-rebuilt; emitter-appended) ---
"""Pipeline reference for scband-domain-weighted-classifier-41798621725259 (READ-ONLY COPY).

The authoritative reference and input builder live on the scoring server;
editing this copy changes nothing except your own understanding.
"""

import jax, jax.numpy as jnp
import numpy as np

VOCAB = 1002  # len(domains) + 2
N_SCORE = 4
BATCH = 16384
HIST = 200
SCORE_SCALE = 1.0


def setup_inputs(seed: int = 0) -> dict:
    key = jax.random.key(seed)
    k1, k2, k3 = jax.random.split(key, 3)
    domain_indices = jax.random.randint(k1, (BATCH, HIST), 0, 900, dtype=jnp.int32)
    counts = jax.random.uniform(k2, (BATCH, HIST), dtype=jnp.float32)
    embd_weight = jax.random.normal(k3, (VOCAB, N_SCORE), dtype=jnp.float32)
    weights = jnp.asarray([float(1 << i) for i in range(N_SCORE)], dtype=jnp.float32)
    return {
        "domain_indices": domain_indices,
        "counts": counts,
        "embd_weight": embd_weight,
        "weights": weights,
    }


def reference(domain_indices, counts, embd_weight, weights):
    # embds = self.embd(domain_indices): gather rows from embedding table
    embds = jnp.take(embd_weight, domain_indices, axis=0)  # [n, d, e]
    n, d, e = embds.shape
    # scores = sum(embds * counts.view(n, d, 1), dim=1)
    scores = jnp.sum(embds * counts.reshape(n, d, 1), axis=1)  # [n, e]
    # out = scores @ weights.view(e, 1) * score_scale
    out = jnp.matmul(scores, weights.reshape(e, 1)).reshape(n, 1) * SCORE_SCALE
    return out

if __name__ == "__main__":
    import jax
    _d = setup_inputs()
    print(jax.jit(kernel)(*tuple(_d.values())))

</pallas_src>

<mosaic_0001>
#map = affine_map<(d0, d1) -> (0, 0)>
#map1 = affine_map<(d0, d1) -> (0)>
module attributes {stable_mosaic.version = 14 : i64} {
  func.func @_dwc_kernel(%arg0: i32, %arg1: i32, %arg2: memref<200x16384xi32, #tpu.memory_space<hbm>>, %arg3: memref<200x16384xf32, #tpu.memory_space<hbm>>, %arg4: memref<4x1002xf32, #tpu.memory_space<hbm>>, %arg5: memref<64xf32, #tpu.memory_space<hbm>>, %arg6: memref<16384xf32, #tpu.memory_space<hbm>>, %arg7: memref<4x1002xf32, #tpu.memory_space<vmem>>, %arg8: memref<64xf32, #tpu.memory_space<vmem>>, %arg9: memref<1008xf32, #tpu.memory_space<vmem>>, %arg10: memref<200x128xi32, #tpu.memory_space<vmem>>, %arg11: memref<200x128xi32, #tpu.memory_space<vmem>>, %arg12: memref<200x128xf32, #tpu.memory_space<vmem>>, %arg13: memref<200x128xf32, #tpu.memory_space<vmem>>, %arg14: memref<512xf32, #tpu.memory_space<vmem>>, %arg15: memref<!tpu.dma_semaphore, #tpu.memory_space<semaphore_mem>>, %arg16: memref<!tpu.dma_semaphore, #tpu.memory_space<semaphore_mem>>) attributes {dimension_semantics = [#tpu.dimension_semantics<core_parallel>, #tpu.dimension_semantics<subcore_parallel>], iteration_bounds = array<i64: 2, 16>, scalar_prefetch = 0 : i64, scratch_operands = 10 : i64, tpu.core_type = #tpu.core_type<sc_vector_subcore>, window_params = [{transform_indices = #map}, {transform_indices = #map}, {transform_indices = #map}, {transform_indices = #map1}, {transform_indices = #map1}]} {
    %mul3A = arith.constant 2 : i32
    %mul3A_0 = arith.muli %arg1, %mul3A : i32
    %add3A = arith.addi %mul3A_0, %arg0 : i32
    %iota3A = tpu.iota {dimensions = array<i32: 0>} : vector<16xi32>
    %broadcast_in_dim3A = arith.constant 0.000000e+00 : f32
    %broadcast_in_dim3A_1 = vector.broadcast %broadcast_in_dim3A : f32 to vector<16xf32>
    "tpu.region"() ({
      %run_scoped3A = tpu.sem_alloc : memref<!tpu.dma_semaphore, #tpu.memory_space<semaphore_mem>>
      tpu.enqueue_dma source(%arg4 : memref<4x1002xf32, #tpu.memory_space<hbm>>) target(%arg7 : memref<4x1002xf32, #tpu.memory_space<vmem>>) target_semaphore(%run_scoped3A : memref<!tpu.dma_semaphore, #tpu.memory_space<semaphore_mem>>)
      tpu.wait_dma2 semaphore(%run_scoped3A : memref<!tpu.dma_semaphore, #tpu.memory_space<semaphore_mem>>) src(%arg4 : memref<4x1002xf32, #tpu.memory_space<hbm>>) dst(%arg7 : memref<4x1002xf32, #tpu.memory_space<vmem>>)
      tpu.yield
    }) : () -> ()
    "tpu.region"() ({
      %run_scoped3A = tpu.sem_alloc : memref<!tpu.dma_semaphore, #tpu.memory_space<semaphore_mem>>
      tpu.enqueue_dma source(%arg5 : memref<64xf32, #tpu.memory_space<hbm>>) target(%arg8 : memref<64xf32, #tpu.memory_space<vmem>>) target_semaphore(%run_scoped3A : memref<!tpu.dma_semaphore, #tpu.memory_space<semaphore_mem>>)
      tpu.wait_dma2 semaphore(%run_scoped3A : memref<!tpu.dma_semaphore, #tpu.memory_space<semaphore_mem>>) src(%arg5 : memref<64xf32, #tpu.memory_space<hbm>>) dst(%arg8 : memref<64xf32, #tpu.memory_space<vmem>>)
      tpu.yield
    }) : () -> ()
    %broadcast_in_dim3A_2 = arith.constant 0 : i32
    %broadcast_in_dim3A_3 = vector.broadcast %broadcast_in_dim3A_2 : i32 to vector<16xi32>
    %broadcast_in_dim3A_4 = arith.constant 1 : i32
    %broadcast_in_dim3A_5 = vector.broadcast %broadcast_in_dim3A_4 : i32 to vector<16xi32>
    %broadcast_in_dim3A_6 = arith.constant 2 : i32
    %broadcast_in_dim3A_7 = vector.broadcast %broadcast_in_dim3A_6 : i32 to vector<16xi32>
    %broadcast_in_dim3A_8 = arith.constant 3 : i32
    %broadcast_in_dim3A_9 = vector.broadcast %broadcast_in_dim3A_8 : i32 to vector<16xi32>
    %get3A = arith.constant 0 : index
    %get3A_10 = tpu.vector_load %arg8[%get3A] {strides = array<i32>} : memref<64xf32, #tpu.memory_space<vmem>>, vector<16xf32>,
    %get3A_11 = arith.constant 16 : index
    %get3A_12 = tpu.vector_load %arg8[%get3A_11] {strides = array<i32>} : memref<64xf32, #tpu.memory_space<vmem>>, vector<16xf32>,
    %get3A_13 = arith.constant 32 : index
    %get3A_14 = tpu.vector_load %arg8[%get3A_13] {strides = array<i32>} : memref<64xf32, #tpu.memory_space<vmem>>, vector<16xf32>,
    %get3A_15 = arith.constant 48 : index
    %get3A_16 = tpu.vector_load %arg8[%get3A_15] {strides = array<i32>} : memref<64xf32, #tpu.memory_space<vmem>>, vector<16xf32>,
    %scan3A = arith.constant 0 : i32
    %scan3A_17 = arith.constant 0 : i32
    %scan3A_18 = arith.constant 63 : i32
    %scan3A_19 = arith.addi %scan3A_17, %scan3A_18 : i32
    %scan3A_20 = arith.constant 1 : i32
    scf.for %scan3A_53 = %scan3A_17 to %scan3A_19 step %scan3A_20  : i32 {
      %mul3A_54 = arith.constant 16 : i32
      %mul3A_55 = arith.muli %scan3A_53, %mul3A_54 : i32
      %add3A_56 = vector.broadcast %mul3A_55 : i32 to vector<16xi32>
      %add3A_57 = arith.addi %add3A_56, %iota3A : vector<16xi32>
      %gather3A = tpu.vector_load_idx %arg7[%broadcast_in_dim3A_3, %add3A_57] : memref<4x1002xf32, #tpu.memory_space<vmem>>[vector<16xi32>, vector<16xi32>], vector<16xf32>,
      %mul3A_58 = arith.mulf %gather3A, %get3A_10 : vector<16xf32>
      %add3A_59 = arith.addf %broadcast_in_dim3A_1, %mul3A_58 : vector<16xf32>
      %gather3A_60 = tpu.vector_load_idx %arg7[%broadcast_in_dim3A_5, %add3A_57] : memref<4x1002xf32, #tpu.memory_space<vmem>>[vector<16xi32>, vector<16xi32>], vector<16xf32>,
      %mul3A_61 = arith.mulf %gather3A_60, %get3A_12 : vector<16xf32>
      %add3A_62 = arith.addf %add3A_59, %mul3A_61 : vector<16xf32>
      %gather3A_63 = tpu.vector_load_idx %arg7[%broadcast_in_dim3A_7, %add3A_57] : memref<4x1002xf32, #tpu.memory_space<vmem>>[vector<16xi32>, vector<16xi32>], vector<16xf32>,
      %mul3A_64 = arith.mulf %gather3A_63, %get3A_14 : vector<16xf32>
      %add3A_65 = arith.addf %add3A_62, %mul3A_64 : vector<16xf32>
      %gather3A_66 = tpu.vector_load_idx %arg7[%broadcast_in_dim3A_9, %add3A_57] : memref<4x1002xf32, #tpu.memory_space<vmem>>[vector<16xi32>, vector<16xi32>], vector<16xf32>,
      %mul3A_67 = arith.mulf %gather3A_66, %get3A_16 : vector<16xf32>
      %add3A_68 = arith.addf %add3A_65, %mul3A_67 : vector<16xf32>
      %swap3A = arith.index_cast %mul3A_55 : i32 to index
      %swap3A_69 = tpu.vector_load %arg9[%swap3A] {strides = array<i32>} : memref<1008xf32, #tpu.memory_space<vmem>>, vector<16xf32>,
      tpu.vector_store %arg9[%swap3A], %add3A_68 {strides = array<i32>} : memref<1008xf32, #tpu.memory_space<vmem>>, vector<16xf32>,
    }
    %scan3A_21 = arith.constant 63 : i32
    %mul3A_22 = arith.constant 512 : i32
    %mul3A_23 = arith.muli %add3A, %mul3A_22 : i32
    %min3A = arith.constant 0 : i32
    %min3A_24 = arith.constant 3 : i32
    %min3A_25 = arith.minsi %min3A, %min3A_24 : i32
    %mul3A_26 = arith.constant 128 : i32
    %mul3A_27 = arith.muli %min3A_25, %mul3A_26 : i32
    %add3A_28 = arith.addi %mul3A_23, %mul3A_27 : i32
    %dma_start3A = arith.constant 0 : i32
    %dma_start3A_29 = tpu.memref_slice %arg2[%dma_start3A, %add3A_28] : memref<200x16384xi32, #tpu.memory_space<hbm>> -> memref<200x128xi32, #tpu.memory_space<hbm>>
    %dma_start3A_30 = arith.constant 0 : i32
    %dma_start3A_31 = tpu.memref_slice %arg2[%dma_start3A_30, %add3A_28] : memref<200x16384xi32, #tpu.memory_space<hbm>> -> memref<200x128xi32, #tpu.memory_space<hbm>>
    tpu.enqueue_dma source(%dma_start3A_31 : memref<200x128xi32, #tpu.memory_space<hbm>>) target(%arg10 : memref<200x128xi32, #tpu.memory_space<vmem>>) target_semaphore(%arg15 : memref<!tpu.dma_semaphore, #tpu.memory_space<semaphore_mem>>)
    %dma_start3A_32 = arith.constant 0 : i32
    %dma_start3A_33 = tpu.memref_slice %arg3[%dma_start3A_32, %add3A_28] : memref<200x16384xf32, #tpu.memory_space<hbm>> -> memref<200x128xf32, #tpu.memory_space<hbm>>
    %dma_start3A_34 = arith.constant 0 : i32
    %dma_start3A_35 = tpu.memref_slice %arg3[%dma_start3A_34, %add3A_28] : memref<200x16384xf32, #tpu.memory_space<hbm>> -> memref<200x128xf32, #tpu.memory_space<hbm>>
    tpu.enqueue_dma source(%dma_start3A_35 : memref<200x128xf32, #tpu.memory_space<hbm>>) target(%arg12 : memref<200x128xf32, #tpu.memory_space<vmem>>) target_semaphore(%arg15 : memref<!tpu.dma_semaphore, #tpu.memory_space<semaphore_mem>>)
    %scan3A_36 = arith.constant 0 : i32
    %scan3A_37 = arith.constant 0 : i32
    %scan3A_38 = arith.constant 2 : i32
    %scan3A_39 = arith.addi %scan3A_37, %scan3A_38 : i32
    %scan3A_40 = arith.constant 1 : i32
    scf.for %scan3A_53 = %scan3A_37 to %scan3A_39 step %scan3A_40  : i32 {
      %mul3A_54 = arith.constant 2 : i32
      %mul3A_55 = arith.muli %scan3A_53, %mul3A_54 : i32
      %add3A_56 = arith.constant 1 : i32
      %add3A_57 = arith.addi %mul3A_55, %add3A_56 : i32
      %min3A_58 = arith.constant 3 : i32
      %min3A_59 = arith.minsi %add3A_57, %min3A_58 : i32
      %mul3A_60 = arith.constant 128 : i32
      %mul3A_61 = arith.muli %min3A_59, %mul3A_60 : i32
      %add3A_62 = arith.addi %mul3A_23, %mul3A_61 : i32
      %dma_start3A_63 = arith.constant 0 : i32
      %dma_start3A_64 = tpu.memref_slice %arg2[%dma_start3A_63, %add3A_62] : memref<200x16384xi32, #tpu.memory_space<hbm>> -> memref<200x128xi32, #tpu.memory_space<hbm>>
      %dma_start3A_65 = arith.constant 0 : i32
      %dma_start3A_66 = tpu.memref_slice %arg2[%dma_start3A_65, %add3A_62] : memref<200x16384xi32, #tpu.memory_space<hbm>> -> memref<200x128xi32, #tpu.memory_space<hbm>>
      tpu.enqueue_dma source(%dma_start3A_66 : memref<200x128xi32, #tpu.memory_space<hbm>>) target(%arg11 : memref<200x128xi32, #tpu.memory_space<vmem>>) target_semaphore(%arg16 : memref<!tpu.dma_semaphore, #tpu.memory_space<semaphore_mem>>)
      %dma_start3A_67 = arith.constant 0 : i32
      %dma_start3A_68 = tpu.memref_slice %arg3[%dma_start3A_67, %add3A_62] : memref<200x16384xf32, #tpu.memory_space<hbm>> -> memref<200x128xf32, #tpu.memory_space<hbm>>
      %dma_start3A_69 = arith.constant 0 : i32
      %dma_start3A_70 = tpu.memref_slice %arg3[%dma_start3A_69, %add3A_62] : memref<200x16384xf32, #tpu.memory_space<hbm>> -> memref<200x128xf32, #tpu.memory_space<hbm>>
      tpu.enqueue_dma source(%dma_start3A_70 : memref<200x128xf32, #tpu.memory_space<hbm>>) target(%arg13 : memref<200x128xf32, #tpu.memory_space<vmem>>) target_semaphore(%arg16 : memref<!tpu.dma_semaphore, #tpu.memory_space<semaphore_mem>>)
      %dma_wait3A_71 = arith.constant 0 : i32
      %dma_wait3A_72 = arith.constant 0 : i32
      %dma_wait3A_73 = tpu.memref_slice %arg2[%dma_wait3A_71, %dma_wait3A_72] : memref<200x16384xi32, #tpu.memory_space<hbm>> -> memref<200x128xi32, #tpu.memory_space<hbm>>
      %dma_wait3A_74 = arith.constant 0 : i32
      %dma_wait3A_75 = arith.constant 0 : i32
      %dma_wait3A_76 = tpu.memref_slice %arg2[%dma_wait3A_74, %dma_wait3A_75] : memref<200x16384xi32, #tpu.memory_space<hbm>> -> memref<200x128xi32, #tpu.memory_space<hbm>>
      tpu.wait_dma2 semaphore(%arg15 : memref<!tpu.dma_semaphore, #tpu.memory_space<semaphore_mem>>) src(%dma_wait3A_76 : memref<200x128xi32, #tpu.memory_space<hbm>>) dst(%arg10 : memref<200x128xi32, #tpu.memory_space<vmem>>)
      %dma_wait3A_77 = arith.constant 0 : i32
      %dma_wait3A_78 = arith.constant 0 : i32
      %dma_wait3A_79 = tpu.memref_slice %arg3[%dma_wait3A_77, %dma_wait3A_78] : memref<200x16384xf32, #tpu.memory_space<hbm>> -> memref<200x128xf32, #tpu.memory_space<hbm>>
      %dma_wait3A_80 = arith.constant 0 : i32
      %dma_wait3A_81 = arith.constant 0 : i32
      %dma_wait3A_82 = tpu.memref_slice %arg3[%dma_wait3A_80, %dma_wait3A_81] : memref<200x16384xf32, #tpu.memory_space<hbm>> -> memref<200x128xf32, #tpu.memory_space<hbm>>
      tpu.wait_dma2 semaphore(%arg15 : memref<!tpu.dma_semaphore, #tpu.memory_space<semaphore_mem>>) src(%dma_wait3A_82 : memref<200x128xf32, #tpu.memory_space<hbm>>) dst(%arg12 : memref<200x128xf32, #tpu.memory_space<vmem>>)
      %scan3A_83 = arith.constant 0 : i32
      %scan3A_84 = arith.constant 100 : i32
      %scan3A_85 = arith.addi %scan3A_83, %scan3A_84 : i32
      %scan3A_86 = arith.constant 1 : i32
      %scan3A_87:8 = scf.for %scan3A_219 = %scan3A_83 to %scan3A_85 step %scan3A_86 iter_args(%scan3A_220 = %broadcast_in_dim3A_1, %scan3A_221 = %broadcast_in_dim3A_1, %scan3A_222 = %broadcast_in_dim3A_1, %scan3A_223 = %broadcast_in_dim3A_1, %scan3A_224 = %broadcast_in_dim3A_1, %scan3A_225 = %broadcast_in_dim3A_1, %scan3A_226 = %broadcast_in_dim3A_1, %scan3A_227 = %broadcast_in_dim3A_1) -> (vector<16xf32>, vector<16xf32>, vector<16xf32>, vector<16xf32>, vector<16xf32>, vector<16xf32>, vector<16xf32>, vector<16xf32>)  : i32 {
        %mul3A_228 = arith.constant 2 : i32
        %mul3A_229 = arith.muli %scan3A_219, %mul3A_228 : i32
        %add3A_230 = arith.constant 0 : i32
        %add3A_231 = arith.addi %mul3A_229, %add3A_230 : i32
        %get3A_232 = arith.index_cast %add3A_231 : i32 to index
        %get3A_233 = arith.constant 0 : index
        %get3A_234 = tpu.vector_load %arg10[%get3A_232, %get3A_233] {strides = array<i32>} : memref<200x128xi32, #tpu.memory_space<vmem>>, vector<16xi32>,
        %get3A_235 = arith.index_cast %add3A_231 : i32 to index
        %get3A_236 = arith.constant 0 : index
        %get3A_237 = tpu.vector_load %arg12[%get3A_235, %get3A_236] {strides = array<i32>} : memref<200x128xf32, #tpu.memory_space<vmem>>, vector<16xf32>,
        %gather3A = tpu.vector_load_idx %arg9[%get3A_234] : memref<1008xf32, #tpu.memory_space<vmem>>[vector<16xi32>], vector<16xf32>,
        %mul3A_238 = arith.mulf %get3A_237, %gather3A : vector<16xf32>
        %add3A_239 = arith.addf %scan3A_220, %mul3A_238 : vector<16xf32>
        %get3A_240 = arith.index_cast %add3A_231 : i32 to index
        %get3A_241 = arith.constant 16 : index
        %get3A_242 = tpu.vector_load %arg10[%get3A_240, %get3A_241] {strides = array<i32>} : memref<200x128xi32, #tpu.memory_space<vmem>>, vector<16xi32>,
        %get3A_243 = arith.index_cast %add3A_231 : i32 to index
        %get3A_244 = arith.constant 16 : index
        %get3A_245 = tpu.vector_load %arg12[%get3A_243, %get3A_244] {strides = array<i32>} : memref<200x128xf32, #tpu.memory_space<vmem>>, vector<16xf32>,
        %gather3A_246 = tpu.vector_load_idx %arg9[%get3A_242] : memref<1008xf32, #tpu.memory_space<vmem>>[vector<16xi32>], vector<16xf32>,
        %mul3A_247 = arith.mulf %get3A_245, %gather3A_246 : vector<16xf32>
        %add3A_248 = arith.addf %scan3A_221, %mul3A_247 : vector<16xf32>
        %get3A_249 = arith.index_cast %add3A_231 : i32 to index
        %get3A_250 = arith.constant 32 : index
        %get3A_251 = tpu.vector_load %arg10[%get3A_249, %get3A_250] {strides = array<i32>} : memref<200x128xi32, #tpu.memory_space<vmem>>, vector<16xi32>,
        %get3A_252 = arith.index_cast %add3A_231 : i32 to index
        %get3A_253 = arith.constant 32 : index
        %get3A_254 = tpu.vector_load %arg12[%get3A_252, %get3A_253] {strides = array<i32>} : memref<200x128xf32, #tpu.memory_space<vmem>>, vector<16xf32>,
        %gather3A_255 = tpu.vector_load_idx %arg9[%get3A_251] : memref<1008xf32, #tpu.memory_space<vmem>>[vector<16xi32>], vector<16xf32>,
        %mul3A_256 = arith.mulf %get3A_254, %gather3A_255 : vector<16xf32>
        %add3A_257 = arith.addf %scan3A_222, %mul3A_256 : vector<16xf32>
        %get3A_258 = arith.index_cast %add3A_231 : i32 to index
        %get3A_259 = arith.constant 48 : index
        %get3A_260 = tpu.vector_load %arg10[%get3A_258, %get3A_259] {strides = array<i32>} : memref<200x128xi32, #tpu.memory_space<vmem>>, vector<16xi32>,
        %get3A_261 = arith.index_cast %add3A_231 : i32 to index
        %get3A_262 = arith.constant 48 : index
        %get3A_263 = tpu.vector_load %arg12[%get3A_261, %get3A_262] {strides = array<i32>} : memref<200x128xf32, #tpu.memory_space<vmem>>, vector<16xf32>,
        %gather3A_264 = tpu.vector_load_idx %arg9[%get3A_260] : memref<1008xf32, #tpu.memory_space<vmem>>[vector<16xi32>], vector<16xf32>,
        %mul3A_265 = arith.mulf %get3A_263, %gather3A_264 : vector<16xf32>
        %add3A_266 = arith.addf %scan3A_223, %mul3A_265 : vector<16xf32>
        %get3A_267 = arith.index_cast %add3A_231 : i32 to index
        %get3A_268 = arith.constant 64 : index
        %get3A_269 = tpu.vector_load %arg10[%get3A_267, %get3A_268] {strides = array<i32>} : memref<200x128xi32, #tpu.memory_space<vmem>>, vector<16xi32>,
        %get3A_270 = arith.index_cast %add3A_231 : i32 to index
        %get3A_271 = arith.constant 64 : index
        %get3A_272 = tpu.vector_load %arg12[%get3A_270, %get3A_271] {strides = array<i32>} : memref<200x128xf32, #tpu.memory_space<vmem>>, vector<16xf32>,
        %gather3A_273 = tpu.vector_load_idx %arg9[%get3A_269] : memref<1008xf32, #tpu.memory_space<vmem>>[vector<16xi32>], vector<16xf32>,
        %mul3A_274 = arith.mulf %get3A_272, %gather3A_273 : vector<16xf32>
        %add3A_275 = arith.addf %scan3A_224, %mul3A_274 : vector<16xf32>
        %get3A_276 = arith.index_cast %add3A_231 : i32 to index
        %get3A_277 = arith.constant 80 : index
        %get3A_278 = tpu.vector_load %arg10[%get3A_276, %get3A_277] {strides = array<i32>} : memref<200x128xi32, #tpu.memory_space<vmem>>, vector<16xi32>,
        %get3A_279 = arith.index_cast %add3A_231 : i32 to index
        %get3A_280 = arith.constant 80 : index
        %get3A_281 = tpu.vector_load %arg12[%get3A_279, %get3A_280] {strides = array<i32>} : memref<200x128xf32, #tpu.memory_space<vmem>>, vector<16xf32>,
        %gather3A_282 = tpu.vector_load_idx %arg9[%get3A_278] : memref<1008xf32, #tpu.memory_space<vmem>>[vector<16xi32>], vector<16xf32>,
        %mul3A_283 = arith.mulf %get3A_281, %gather3A_282 : vector<16xf32>
        %add3A_284 = arith.addf %scan3A_225, %mul3A_283 : vector<16xf32>
        %get3A_285 = arith.index_cast %add3A_231 : i32 to index
        %get3A_286 = arith.constant 96 : index
        %get3A_287 = tpu.vector_load %arg10[%get3A_285, %get3A_286] {strides = array<i32>} : memref<200x128xi32, #tpu.memory_space<vmem>>, vector<16xi32>,
        %get3A_288 = arith.index_cast %add3A_231 : i32 to index
        %get3A_289 = arith.constant 96 : index
        %get3A_290 = tpu.vector_load %arg12[%get3A_288, %get3A_289] {strides = array<i32>} : memref<200x128xf32, #tpu.memory_space<vmem>>, vector<16xf32>,
        %gather3A_291 = tpu.vector_load_idx %arg9[%get3A_287] : memref<1008xf32, #tpu.memory_space<vmem>>[vector<16xi32>], vector<16xf32>,
        %mul3A_292 = arith.mulf %get3A_290, %gather3A_291 : vector<16xf32>
        %add3A_293 = arith.addf %scan3A_226, %mul3A_292 : vector<16xf32>
        %get3A_294 = arith.index_cast %add3A_231 : i32 to index
        %get3A_295 = arith.constant 112 : index
        %get3A_296 = tpu.vector_load %arg10[%get3A_294, %get3A_295] {strides = array<i32>} : memref<200x128xi32, #tpu.memory_space<vmem>>, vector<16xi32>,
        %get3A_297 = arith.index_cast %add3A_231 : i32 to index
        %get3A_298 = arith.constant 112 : index
        %get3A_299 = tpu.vector_load %arg12[%get3A_297, %get3A_298] {strides = array<i32>} : memref<200x128xf32, #tpu.memory_space<vmem>>, vector<16xf32>,
        %gather3A_300 = tpu.vector_load_idx %arg9[%get3A_296] : memref<1008xf32, #tpu.memory_space<vmem>>[vector<16xi32>], vector<16xf32>,
        %mul3A_301 = arith.mulf %get3A_299, %gather3A_300 : vector<16xf32>
        %add3A_302 = arith.addf %scan3A_227, %mul3A_301 : vector<16xf32>
        %mul3A_303 = arith.constant 2 : i32
        %mul3A_304 = arith.muli %scan3A_219, %mul3A_303 : i32
        %add3A_305 = arith.constant 1 : i32
        %add3A_306 = arith.addi %mul3A_304, %add3A_305 : i32
        %get3A_307 = arith.index_cast %add3A_306 : i32 to index
        %get3A_308 = arith.constant 0 : index
        %get3A_309 = tpu.vector_load %arg10[%get3A_307, %get3A_308] {strides = array<i32>} : memref<200x128xi32, #tpu.memory_space<vmem>>, vector<16xi32>,
        %get3A_310 = arith.index_cast %add3A_306 : i32 to index
        %get3A_311 = arith.constant 0 : index
        %get3A_312 = tpu.vector_load %arg12[%get3A_310, %get3A_311] {strides = array<i32>} : memref<200x128xf32, #tpu.memory_space<vmem>>, vector<16xf32>,
        %gather3A_313 = tpu.vector_load_idx %arg9[%get3A_309] : memref<1008xf32, #tpu.memory_space<vmem>>[vector<16xi32>], vector<16xf32>,
        %mul3A_314 = arith.mulf %get3A_312, %gather3A_313 : vector<16xf32>
        %add3A_315 = arith.addf %add3A_239, %mul3A_314 : vector<16xf32>
        %get3A_316 = arith.index_cast %add3A_306 : i32 to index
        %get3A_317 = arith.constant 16 : index
        %get3A_318 = tpu.vector_load %arg10[%get3A_316, %get3A_317] {strides = array<i32>} : memref<200x128xi32, #tpu.memory_space<vmem>>, vector<16xi32>,
        %get3A_319 = arith.index_cast %add3A_306 : i32 to index
        %get3A_320 = arith.constant 16 : index
        %get3A_321 = tpu.vector_load %arg12[%get3A_319, %get3A_320] {strides = array<i32>} : memref<200x128xf32, #tpu.memory_space<vmem>>, vector<16xf32>,
        %gather3A_322 = tpu.vector_load_idx %arg9[%get3A_318] : memref<1008xf32, #tpu.memory_space<vmem>>[vector<16xi32>], vector<16xf32>,
        %mul3A_323 = arith.mulf %get3A_321, %gather3A_322 : vector<16xf32>
        %add3A_324 = arith.addf %add3A_248, %mul3A_323 : vector<16xf32>
        %get3A_325 = arith.index_cast %add3A_306 : i32 to index
        %get3A_326 = arith.constant 32 : index
        %get3A_327 = tpu.vector_load %arg10[%get3A_325, %get3A_326] {strides = array<i32>} : memref<200x128xi32, #tpu.memory_space<vmem>>, vector<16xi32>,
        %get3A_328 = arith.index_cast %add3A_306 : i32 to index
        %get3A_329 = arith.constant 32 : index
        %get3A_330 = tpu.vector_load %arg12[%get3A_328, %get3A_329] {strides = array<i32>} : memref<200x128xf32, #tpu.memory_space<vmem>>, vector<16xf32>,
        %gather3A_331 = tpu.vector_load_idx %arg9[%get3A_327] : memref<1008xf32, #tpu.memory_space<vmem>>[vector<16xi32>], vector<16xf32>,
        %mul3A_332 = arith.mulf %get3A_330, %gather3A_331 : vector<16xf32>
        %add3A_333 = arith.addf %add3A_257, %mul3A_332 : vector<16xf32>
        %get3A_334 = arith.index_cast %add3A_306 : i32 to index
        %get3A_335 = arith.constant 48 : index
        %get3A_336 = tpu.vector_load %arg10[%get3A_334, %get3A_335] {strides = array<i32>} : memref<200x128xi32, #tpu.memory_space<vmem>>, vector<16xi32>,
        %get3A_337 = arith.index_cast %add3A_306 : i32 to index
        %get3A_338 = arith.constant 48 : index
        %get3A_339 = tpu.vector_load %arg12[%get3A_337, %get3A_338] {strides = array<i32>} : memref<200x128xf32, #tpu.memory_space<vmem>>, vector<16xf32>,
        %gather3A_340 = tpu.vector_load_idx %arg9[%get3A_336] : memref<1008xf32, #tpu.memory_space<vmem>>[vector<16xi32>], vector<16xf32>,
        %mul3A_341 = arith.mulf %get3A_339, %gather3A_340 : vector<16xf32>
        %add3A_342 = arith.addf %add3A_266, %mul3A_341 : vector<16xf32>
        %get3A_343 = arith.index_cast %add3A_306 : i32 to index
        %get3A_344 = arith.constant 64 : index
        %get3A_345 = tpu.vector_load %arg10[%get3A_343, %get3A_344] {strides = array<i32>} : memref<200x128xi32, #tpu.memory_space<vmem>>, vector<16xi32>,
        %get3A_346 = arith.index_cast %add3A_306 : i32 to index
        %get3A_347 = arith.constant 64 : index
        %get3A_348 = tpu.vector_load %arg12[%get3A_346, %get3A_347] {strides = array<i32>} : memref<200x128xf32, #tpu.memory_space<vmem>>, vector<16xf32>,
        %gather3A_349 = tpu.vector_load_idx %arg9[%get3A_345] : memref<1008xf32, #tpu.memory_space<vmem>>[vector<16xi32>], vector<16xf32>,
        %mul3A_350 = arith.mulf %get3A_348, %gather3A_349 : vector<16xf32>
        %add3A_351 = arith.addf %add3A_275, %mul3A_350 : vector<16xf32>
        %get3A_352 = arith.index_cast %add3A_306 : i32 to index
        %get3A_353 = arith.constant 80 : index
        %get3A_354 = tpu.vector_load %arg10[%get3A_352, %get3A_353] {strides = array<i32>} : memref<200x128xi32, #tpu.memory_space<vmem>>, vector<16xi32>,
        %get3A_355 = arith.index_cast %add3A_306 : i32 to index
        %get3A_356 = arith.constant 80 : index
        %get3A_357 = tpu.vector_load %arg12[%get3A_355, %get3A_356] {strides = array<i32>} : memref<200x128xf32, #tpu.memory_space<vmem>>, vector<16xf32>,
        %gather3A_358 = tpu.vector_load_idx %arg9[%get3A_354] : memref<1008xf32, #tpu.memory_space<vmem>>[vector<16xi32>], vector<16xf32>,
        %mul3A_359 = arith.mulf %get3A_357, %gather3A_358 : vector<16xf32>
        %add3A_360 = arith.addf %add3A_284, %mul3A_359 : vector<16xf32>
        %get3A_361 = arith.index_cast %add3A_306 : i32 to index
        %get3A_362 = arith.constant 96 : index
        %get3A_363 = tpu.vector_load %arg10[%get3A_361, %get3A_362] {strides = array<i32>} : memref<200x128xi32, #tpu.memory_space<vmem>>, vector<16xi32>,
        %get3A_364 = arith.index_cast %add3A_306 : i32 to index
        %get3A_365 = arith.constant 96 : index
        %get3A_366 = tpu.vector_load %arg12[%get3A_364, %get3A_365] {strides = array<i32>} : memref<200x128xf32, #tpu.memory_space<vmem>>, vector<16xf32>,
        %gather3A_367 = tpu.vector_load_idx %arg9[%get3A_363] : memref<1008xf32, #tpu.memory_space<vmem>>[vector<16xi32>], vector<16xf32>,
        %mul3A_368 = arith.mulf %get3A_366, %gather3A_367 : vector<16xf32>
        %add3A_369 = arith.addf %add3A_293, %mul3A_368 : vector<16xf32>
        %get3A_370 = arith.index_cast %add3A_306 : i32 to index
        %get3A_371 = arith.constant 112 : index
        %get3A_372 = tpu.vector_load %arg10[%get3A_370, %get3A_371] {strides = array<i32>} : memref<200x128xi32, #tpu.memory_space<vmem>>, vector<16xi32>,
        %get3A_373 = arith.index_cast %add3A_306 : i32 to index
        %get3A_374 = arith.constant 112 : index
        %get3A_375 = tpu.vector_load %arg12[%get3A_373, %get3A_374] {strides = array<i32>} : memref<200x128xf32, #tpu.memory_space<vmem>>, vector<16xf32>,
        %gather3A_376 = tpu.vector_load_idx %arg9[%get3A_372] : memref<1008xf32, #tpu.memory_space<vmem>>[vector<16xi32>], vector<16xf32>,
        %mul3A_377 = arith.mulf %get3A_375, %gather3A_376 : vector<16xf32>
        %add3A_378 = arith.addf %add3A_302, %mul3A_377 : vector<16xf32>
        scf.yield %add3A_315, %add3A_324, %add3A_333, %add3A_342, %add3A_351, %add3A_360, %add3A_369, %add3A_378 : vector<16xf32>, vector<16xf32>, vector<16xf32>, vector<16xf32>, vector<16xf32>, vector<16xf32>, vector<16xf32>, vector<16xf32>
      }
      %scan3A_88 = arith.constant 100 : i32
      %mul3A_89 = arith.constant 128 : i32
      %mul3A_90 = arith.muli %mul3A_55, %mul3A_89 : i32
      %add3A_91 = arith.constant 0 : i32
      %add3A_92 = arith.addi %mul3A_90, %add3A_91 : i32
      %swap3A = arith.index_cast %add3A_92 : i32 to index
      %swap3A_93 = tpu.vector_load %arg14[%swap3A] {strides = array<i32>} : memref<512xf32, #tpu.memory_space<vmem>>, vector<16xf32>,
      tpu.vector_store %arg14[%swap3A], %scan3A_87#0 {strides = array<i32>} : memref<512xf32, #tpu.memory_space<vmem>>, vector<16xf32>,
      %mul3A_94 = arith.constant 128 : i32
      %mul3A_95 = arith.muli %mul3A_55, %mul3A_94 : i32
      %add3A_96 = arith.constant 16 : i32
      %add3A_97 = arith.addi %mul3A_95, %add3A_96 : i32
      %swap3A_98 = arith.index_cast %add3A_97 : i32 to index
      %swap3A_99 = tpu.vector_load %arg14[%swap3A_98] {strides = array<i32>} : memref<512xf32, #tpu.memory_space<vmem>>, vector<16xf32>,
      tpu.vector_store %arg14[%swap3A_98], %scan3A_87#1 {strides = array<i32>} : memref<512xf32, #tpu.memory_space<vmem>>, vector<16xf32>,
      %mul3A_100 = arith.constant 128 : i32
      %mul3A_101 = arith.muli %mul3A_55, %mul3A_100 : i32
      %add3A_102 = arith.constant 32 : i32
      %add3A_103 = arith.addi %mul3A_101, %add3A_102 : i32
      %swap3A_104 = arith.index_cast %add3A_103 : i32 to index
      %swap3A_105 = tpu.vector_load %arg14[%swap3A_104] {strides = array<i32>} : memref<512xf32, #tpu.memory_space<vmem>>, vector<16xf32>,
      tpu.vector_store %arg14[%swap3A_104], %scan3A_87#2 {strides = array<i32>} : memref<512xf32, #tpu.memory_space<vmem>>, vector<16xf32>,
      %mul3A_106 = arith.constant 128 : i32
      %mul3A_107 = arith.muli %mul3A_55, %mul3A_106 : i32
      %add3A_108 = arith.constant 48 : i32
      %add3A_109 = arith.addi %mul3A_107, %add3A_108 : i32
      %swap3A_110 = arith.index_cast %add3A_109 : i32 to index
      %swap3A_111 = tpu.vector_load %arg14[%swap3A_110] {strides = array<i32>} : memref<512xf32, #tpu.memory_space<vmem>>, vector<16xf32>,
      tpu.vector_store %arg14[%swap3A_110], %scan3A_87#3 {strides = array<i32>} : memref<512xf32, #tpu.memory_space<vmem>>, vector<16xf32>,
      %mul3A_112 = arith.constant 128 : i32
      %mul3A_113 = arith.muli %mul3A_55, %mul3A_112 : i32
      %add3A_114 = arith.constant 64 : i32
      %add3A_115 = arith.addi %mul3A_113, %add3A_114 : i32
      %swap3A_116 = arith.index_cast %add3A_115 : i32 to index
      %swap3A_117 = tpu.vector_load %arg14[%swap3A_116] {strides = array<i32>} : memref<512xf32, #tpu.memory_space<vmem>>, vector<16xf32>,
      tpu.vector_store %arg14[%swap3A_116], %scan3A_87#4 {strides = array<i32>} : memref<512xf32, #tpu.memory_space<vmem>>, vector<16xf32>,
      %mul3A_118 = arith.constant 128 : i32
      %mul3A_119 = arith.muli %mul3A_55, %mul3A_118 : i32
      %add3A_120 = arith.constant 80 : i32
      %add3A_121 = arith.addi %mul3A_119, %add3A_120 : i32
      %swap3A_122 = arith.index_cast %add3A_121 : i32 to index
      %swap3A_123 = tpu.vector_load %arg14[%swap3A_122] {strides = array<i32>} : memref<512xf32, #tpu.memory_space<vmem>>, vector<16xf32>,
      tpu.vector_store %arg14[%swap3A_122], %scan3A_87#5 {strides = array<i32>} : memref<512xf32, #tpu.memory_space<vmem>>, vector<16xf32>,
      %mul3A_124 = arith.constant 128 : i32
      %mul3A_125 = arith.muli %mul3A_55, %mul3A_124 : i32
      %add3A_126 = arith.constant 96 : i32
      %add3A_127 = arith.addi %mul3A_125, %add3A_126 : i32
      %swap3A_128 = arith.index_cast %add3A_127 : i32 to index
      %swap3A_129 = tpu.vector_load %arg14[%swap3A_128] {strides = array<i32>} : memref<512xf32, #tpu.memory_space<vmem>>, vector<16xf32>,
      tpu.vector_store %arg14[%swap3A_128], %scan3A_87#6 {strides = array<i32>} : memref<512xf32, #tpu.memory_space<vmem>>, vector<16xf32>,
      %mul3A_130 = arith.constant 128 : i32
      %mul3A_131 = arith.muli %mul3A_55, %mul3A_130 : i32
      %add3A_132 = arith.constant 112 : i32
      %add3A_133 = arith.addi %mul3A_131, %add3A_132 : i32
      %swap3A_134 = arith.index_cast %add3A_133 : i32 to index
      %swap3A_135 = tpu.vector_load %arg14[%swap3A_134] {strides = array<i32>} : memref<512xf32, #tpu.memory_space<vmem>>, vector<16xf32>,
      tpu.vector_store %arg14[%swap3A_134], %scan3A_87#7 {strides = array<i32>} : memref<512xf32, #tpu.memory_space<vmem>>, vector<16xf32>,
      %add3A_136 = arith.constant 2 : i32
      %add3A_137 = arith.addi %mul3A_55, %add3A_136 : i32
      %min3A_138 = arith.constant 3 : i32
      %min3A_139 = arith.minsi %add3A_137, %min3A_138 : i32
      %mul3A_140 = arith.constant 128 : i32
      %mul3A_141 = arith.muli %min3A_139, %mul3A_140 : i32
      %add3A_142 = arith.addi %mul3A_23, %mul3A_141 : i32
      %dma_start3A_143 = arith.constant 0 : i32
      %dma_start3A_144 = tpu.memref_slice %arg2[%dma_start3A_143, %add3A_142] : memref<200x16384xi32, #tpu.memory_space<hbm>> -> memref<200x128xi32, #tpu.memory_space<hbm>>
      %dma_start3A_145 = arith.constant 0 : i32
      %dma_start3A_146 = tpu.memref_slice %arg2[%dma_start3A_145, %add3A_142] : memref<200x16384xi32, #tpu.memory_space<hbm>> -> memref<200x128xi32, #tpu.memory_space<hbm>>
      tpu.enqueue_dma source(%dma_start3A_146 : memref<200x128xi32, #tpu.memory_space<hbm>>) target(%arg10 : memref<200x128xi32, #tpu.memory_space<vmem>>) target_semaphore(%arg15 : memref<!tpu.dma_semaphore, #tpu.memory_space<semaphore_mem>>)
      %dma_start3A_147 = arith.constant 0 : i32
      %dma_start3A_148 = tpu.memref_slice %arg3[%dma_start3A_147, %add3A_142] : memref<200x16384xf32, #tpu.memory_space<hbm>> -> memref<200x128xf32, #tpu.memory_space<hbm>>
      %dma_start3A_149 = arith.constant 0 : i32
      %dma_start3A_150 = tpu.memref_slice %arg3[%dma_start3A_149, %add3A_142] : memref<200x16384xf32, #tpu.memory_space<hbm>> -> memref<200x128xf32, #tpu.memory_space<hbm>>
      tpu.enqueue_dma source(%dma_start3A_150 : memref<200x128xf32, #tpu.memory_space<hbm>>) target(%arg12 : memref<200x128xf32, #tpu.memory_space<vmem>>) target_semaphore(%arg15 : memref<!tpu.dma_semaphore, #tpu.memory_space<semaphore_mem>>)
      %dma_wait3A_151 = arith.constant 0 : i32
      %dma_wait3A_152 = arith.constant 0 : i32
      %dma_wait3A_153 = tpu.memref_slice %arg2[%dma_wait3A_151, %dma_wait3A_152] : memref<200x16384xi32, #tpu.memory_space<hbm>> -> memref<200x128xi32, #tpu.memory_space<hbm>>
      %dma_wait3A_154 = arith.constant 0 : i32
      %dma_wait3A_155 = arith.constant 0 : i32
      %dma_wait3A_156 = tpu.memref_slice %arg2[%dma_wait3A_154, %dma_wait3A_155] : memref<200x16384xi32, #tpu.memory_space<hbm>> -> memref<200x128xi32, #tpu.memory_space<hbm>>
      tpu.wait_dma2 semaphore(%arg16 : memref<!tpu.dma_semaphore, #tpu.memory_space<semaphore_mem>>) src(%dma_wait3A_156 : memref<200x128xi32, #tpu.memory_space<hbm>>) dst(%arg11 : memref<200x128xi32, #tpu.memory_space<vmem>>)
      %dma_wait3A_157 = arith.constant 0 : i32
      %dma_wait3A_158 = arith.constant 0 : i32
      %dma_wait3A_159 = tpu.memref_slice %arg3[%dma_wait3A_157, %dma_wait3A_158] : memref<200x16384xf32, #tpu.memory_space<hbm>> -> memref<200x128xf32, #tpu.memory_space<hbm>>
      %dma_wait3A_160 = arith.constant 0 : i32
      %dma_wait3A_161 = arith.constant 0 : i32
      %dma_wait3A_162 = tpu.memref_slice %arg3[%dma_wait3A_160, %dma_wait3A_161] : memref<200x16384xf32, #tpu.memory_space<hbm>> -> memref<200x128xf32, #tpu.memory_space<hbm>>
      tpu.wait_dma2 semaphore(%arg16 : memref<!tpu.dma_semaphore, #tpu.memory_space<semaphore_mem>>) src(%dma_wait3A_162 : memref<200x128xf32, #tpu.memory_space<hbm>>) dst(%arg13 : memref<200x128xf32, #tpu.memory_space<vmem>>)
      %add3A_163 = arith.constant 1 : i32
      %add3A_164 = arith.addi %mul3A_55, %add3A_163 : i32
      %scan3A_165 = arith.constant 0 : i32
      %scan3A_166 = arith.constant 100 : i32
      %scan3A_167 = arith.addi %scan3A_165, %scan3A_166 : i32
      %scan3A_168 = arith.constant 1 : i32
      %scan3A_169:8 = scf.for %scan3A_219 = %scan3A_165 to %scan3A_167 step %scan3A_168 iter_args(%scan3A_220 = %broadcast_in_dim3A_1, %scan3A_221 = %broadcast_in_dim3A_1, %scan3A_222 = %broadcast_in_dim3A_1, %scan3A_223 = %broadcast_in_dim3A_1, %scan3A_224 = %broadcast_in_dim3A_1, %scan3A_225 = %broadcast_in_dim3A_1, %scan3A_226 = %broadcast_in_dim3A_1, %scan3A_227 = %broadcast_in_dim3A_1) -> (vector<16xf32>, vector<16xf32>, vector<16xf32>, vector<16xf32>, vector<16xf32>, vector<16xf32>, vector<16xf32>, vector<16xf32>)  : i32 {
        %mul3A_228 = arith.constant 2 : i32
        %mul3A_229 = arith.muli %scan3A_219, %mul3A_228 : i32
        %add3A_230 = arith.constant 0 : i32
        %add3A_231 = arith.addi %mul3A_229, %add3A_230 : i32
        %get3A_232 = arith.index_cast %add3A_231 : i32 to index
        %get3A_233 = arith.constant 0 : index
        %get3A_234 = tpu.vector_load %arg11[%get3A_232, %get3A_233] {strides = array<i32>} : memref<200x128xi32, #tpu.memory_space<vmem>>, vector<16xi32>,
        %get3A_235 = arith.index_cast %add3A_231 : i32 to index
        %get3A_236 = arith.constant 0 : index
        %get3A_237 = tpu.vector_load %arg13[%get3A_235, %get3A_236] {strides = array<i32>} : memref<200x128xf32, #tpu.memory_space<vmem>>, vector<16xf32>,
        %gather3A = tpu.vector_load_idx %arg9[%get3A_234] : memref<1008xf32, #tpu.memory_space<vmem>>[vector<16xi32>], vector<16xf32>,
        %mul3A_238 = arith.mulf %get3A_237, %gather3A : vector<16xf32>
        %add3A_239 = arith.addf %scan3A_220, %mul3A_238 : vector<16xf32>
        %get3A_240 = arith.index_cast %add3A_231 : i32 to index
        %get3A_241 = arith.constant 16 : index
        %get3A_242 = tpu.vector_load %arg11[%get3A_240, %get3A_241] {strides = array<i32>} : memref<200x128xi32, #tpu.memory_space<vmem>>, vector<16xi32>,
        %get3A_243 = arith.index_cast %add3A_231 : i32 to index
        %get3A_244 = arith.constant 16 : index
        %get3A_245 = tpu.vector_load %arg13[%get3A_243, %get3A_244] {strides = array<i32>} : memref<200x128xf32, #tpu.memory_space<vmem>>, vector<16xf32>,
        %gather3A_246 = tpu.vector_load_idx %arg9[%get3A_242] : memref<1008xf32, #tpu.memory_space<vmem>>[vector<16xi32>], vector<16xf32>,
        %mul3A_247 = arith.mulf %get3A_245, %gather3A_246 : vector<16xf32>
        %add3A_248 = arith.addf %scan3A_221, %mul3A_247 : vector<16xf32>
        %get3A_249 = arith.index_cast %add3A_231 : i32 to index
        %get3A_250 = arith.constant 32 : index
        %get3A_251 = tpu.vector_load %arg11[%get3A_249, %get3A_250] {strides = array<i32>} : memref<200x128xi32, #tpu.memory_space<vmem>>, vector<16xi32>,
        %get3A_252 = arith.index_cast %add3A_231 : i32 to index
        %get3A_253 = arith.constant 32 : index
        %get3A_254 = tpu.vector_load %arg13[%get3A_252, %get3A_253] {strides = array<i32>} : memref<200x128xf32, #tpu.memory_space<vmem>>, vector<16xf32>,
        %gather3A_255 = tpu.vector_load_idx %arg9[%get3A_251] : memref<1008xf32, #tpu.memory_space<vmem>>[vector<16xi32>], vector<16xf32>,
        %mul3A_256 = arith.mulf %get3A_254, %gather3A_255 : vector<16xf32>
        %add3A_257 = arith.addf %scan3A_222, %mul3A_256 : vector<16xf32>
        %get3A_258 = arith.index_cast %add3A_231 : i32 to index
        %get3A_259 = arith.constant 48 : index
        %get3A_260 = tpu.vector_load %arg11[%get3A_258, %get3A_259] {strides = array<i32>} : memref<200x128xi32, #tpu.memory_space<vmem>>, vector<16xi32>,
        %get3A_261 = arith.index_cast %add3A_231 : i32 to index
        %get3A_262 = arith.constant 48 : index
        %get3A_263 = tpu.vector_load %arg13[%get3A_261, %get3A_262] {strides = array<i32>} : memref<200x128xf32, #tpu.memory_space<vmem>>, vector<16xf32>,
        %gather3A_264 = tpu.vector_load_idx %arg9[%get3A_260] : memref<1008xf32, #tpu.memory_space<vmem>>[vector<16xi32>], vector<16xf32>,
        %mul3A_265 = arith.mulf %get3A_263, %gather3A_264 : vector<16xf32>
        %add3A_266 = arith.addf %scan3A_223, %mul3A_265 : vector<16xf32>
        %get3A_267 = arith.index_cast %add3A_231 : i32 to index
        %get3A_268 = arith.constant 64 : index
        %get3A_269 = tpu.vector_load %arg11[%get3A_267, %get3A_268] {strides = array<i32>} : memref<200x128xi32, #tpu.memory_space<vmem>>, vector<16xi32>,
        %get3A_270 = arith.index_cast %add3A_231 : i32 to index
        %get3A_271 = arith.constant 64 : index
        %get3A_272 = tpu.vector_load %arg13[%get3A_270, %get3A_271] {strides = array<i32>} : memref<200x128xf32, #tpu.memory_space<vmem>>, vector<16xf32>,
        %gather3A_273 = tpu.vector_load_idx %arg9[%get3A_269] : memref<1008xf32, #tpu.memory_space<vmem>>[vector<16xi32>], vector<16xf32>,
        %mul3A_274 = arith.mulf %get3A_272, %gather3A_273 : vector<16xf32>
        %add3A_275 = arith.addf %scan3A_224, %mul3A_274 : vector<16xf32>
        %get3A_276 = arith.index_cast %add3A_231 : i32 to index
        %get3A_277 = arith.constant 80 : index
        %get3A_278 = tpu.vector_load %arg11[%get3A_276, %get3A_277] {strides = array<i32>} : memref<200x128xi32, #tpu.memory_space<vmem>>, vector<16xi32>,
        %get3A_279 = arith.index_cast %add3A_231 : i32 to index
        %get3A_280 = arith.constant 80 : index
        %get3A_281 = tpu.vector_load %arg13[%get3A_279, %get3A_280] {strides = array<i32>} : memref<200x128xf32, #tpu.memory_space<vmem>>, vector<16xf32>,
        %gather3A_282 = tpu.vector_load_idx %arg9[%get3A_278] : memref<1008xf32, #tpu.memory_space<vmem>>[vector<16xi32>], vector<16xf32>,
        %mul3A_283 = arith.mulf %get3A_281, %gather3A_282 : vector<16xf32>
        %add3A_284 = arith.addf %scan3A_225, %mul3A_283 : vector<16xf32>
        %get3A_285 = arith.index_cast %add3A_231 : i32 to index
        %get3A_286 = arith.constant 96 : index
        %get3A_287 = tpu.vector_load %arg11[%get3A_285, %get3A_286] {strides = array<i32>} : memref<200x128xi32, #tpu.memory_space<vmem>>, vector<16xi32>,
        %get3A_288 = arith.index_cast %add3A_231 : i32 to index
        %get3A_289 = arith.constant 96 : index
        %get3A_290 = tpu.vector_load %arg13[%get3A_288, %get3A_289] {strides = array<i32>} : memref<200x128xf32, #tpu.memory_space<vmem>>, vector<16xf32>,
        %gather3A_291 = tpu.vector_load_idx %arg9[%get3A_287] : memref<1008xf32, #tpu.memory_space<vmem>>[vector<16xi32>], vector<16xf32>,
        %mul3A_292 = arith.mulf %get3A_290, %gather3A_291 : vector<16xf32>
        %add3A_293 = arith.addf %scan3A_226, %mul3A_292 : vector<16xf32>
        %get3A_294 = arith.index_cast %add3A_231 : i32 to index
        %get3A_295 = arith.constant 112 : index
        %get3A_296 = tpu.vector_load %arg11[%get3A_294, %get3A_295] {strides = array<i32>} : memref<200x128xi32, #tpu.memory_space<vmem>>, vector<16xi32>,
        %get3A_297 = arith.index_cast %add3A_231 : i32 to index
        %get3A_298 = arith.constant 112 : index
        %get3A_299 = tpu.vector_load %arg13[%get3A_297, %get3A_298] {strides = array<i32>} : memref<200x128xf32, #tpu.memory_space<vmem>>, vector<16xf32>,
        %gather3A_300 = tpu.vector_load_idx %arg9[%get3A_296] : memref<1008xf32, #tpu.memory_space<vmem>>[vector<16xi32>], vector<16xf32>,
        %mul3A_301 = arith.mulf %get3A_299, %gather3A_300 : vector<16xf32>
        %add3A_302 = arith.addf %scan3A_227, %mul3A_301 : vector<16xf32>
        %mul3A_303 = arith.constant 2 : i32
        %mul3A_304 = arith.muli %scan3A_219, %mul3A_303 : i32
        %add3A_305 = arith.constant 1 : i32
        %add3A_306 = arith.addi %mul3A_304, %add3A_305 : i32
        %get3A_307 = arith.index_cast %add3A_306 : i32 to index
        %get3A_308 = arith.constant 0 : index
        %get3A_309 = tpu.vector_load %arg11[%get3A_307, %get3A_308] {strides = array<i32>} : memref<200x128xi32, #tpu.memory_space<vmem>>, vector<16xi32>,
        %get3A_310 = arith.index_cast %add3A_306 : i32 to index
        %get3A_311 = arith.constant 0 : index
        %get3A_312 = tpu.vector_load %arg13[%get3A_310, %get3A_311] {strides = array<i32>} : memref<200x128xf32, #tpu.memory_space<vmem>>, vector<16xf32>,
        %gather3A_313 = tpu.vector_load_idx %arg9[%get3A_309] : memref<1008xf32, #tpu.memory_space<vmem>>[vector<16xi32>], vector<16xf32>,
        %mul3A_314 = arith.mulf %get3A_312, %gather3A_313 : vector<16xf32>
        %add3A_315 = arith.addf %add3A_239, %mul3A_314 : vector<16xf32>
        %get3A_316 = arith.index_cast %add3A_306 : i32 to index
        %get3A_317 = arith.constant 16 : index
        %get3A_318 = tpu.vector_load %arg11[%get3A_316, %get3A_317] {strides = array<i32>} : memref<200x128xi32, #tpu.memory_space<vmem>>, vector<16xi32>,
        %get3A_319 = arith.index_cast %add3A_306 : i32 to index
        %get3A_320 = arith.constant 16 : index
        %get3A_321 = tpu.vector_load %arg13[%get3A_319, %get3A_320] {strides = array<i32>} : memref<200x128xf32, #tpu.memory_space<vmem>>, vector<16xf32>,
        %gather3A_322 = tpu.vector_load_idx %arg9[%get3A_318] : memref<1008xf32, #tpu.memory_space<vmem>>[vector<16xi32>], vector<16xf32>,
        %mul3A_323 = arith.mulf %get3A_321, %gather3A_322 : vector<16xf32>
        %add3A_324 = arith.addf %add3A_248, %mul3A_323 : vector<16xf32>
        %get3A_325 = arith.index_cast %add3A_306 : i32 to index
        %get3A_326 = arith.constant 32 : index
        %get3A_327 = tpu.vector_load %arg11[%get3A_325, %get3A_326] {strides = array<i32>} : memref<200x128xi32, #tpu.memory_space<vmem>>, vector<16xi32>,
        %get3A_328 = arith.index_cast %add3A_306 : i32 to index
        %get3A_329 = arith.constant 32 : index
        %get3A_330 = tpu.vector_load %arg13[%get3A_328, %get3A_329] {strides = array<i32>} : memref<200x128xf32, #tpu.memory_space<vmem>>, vector<16xf32>,
        %gather3A_331 = tpu.vector_load_idx %arg9[%get3A_327] : memref<1008xf32, #tpu.memory_space<vmem>>[vector<16xi32>], vector<16xf32>,
        %mul3A_332 = arith.mulf %get3A_330, %gather3A_331 : vector<16xf32>
        %add3A_333 = arith.addf %add3A_257, %mul3A_332 : vector<16xf32>
        %get3A_334 = arith.index_cast %add3A_306 : i32 to index
        %get3A_335 = arith.constant 48 : index
        %get3A_336 = tpu.vector_load %arg11[%get3A_334, %get3A_335] {strides = array<i32>} : memref<200x128xi32, #tpu.memory_space<vmem>>, vector<16xi32>,
        %get3A_337 = arith.index_cast %add3A_306 : i32 to index
        %get3A_338 = arith.constant 48 : index
        %get3A_339 = tpu.vector_load %arg13[%get3A_337, %get3A_338] {strides = array<i32>} : memref<200x128xf32, #tpu.memory_space<vmem>>, vector<16xf32>,
        %gather3A_340 = tpu.vector_load_idx %arg9[%get3A_336] : memref<1008xf32, #tpu.memory_space<vmem>>[vector<16xi32>], vector<16xf32>,
        %mul3A_341 = arith.mulf %get3A_339, %gather3A_340 : vector<16xf32>
        %add3A_342 = arith.addf %add3A_266, %mul3A_341 : vector<16xf32>
        %get3A_343 = arith.index_cast %add3A_306 : i32 to index
        %get3A_344 = arith.constant 64 : index
        %get3A_345 = tpu.vector_load %arg11[%get3A_343, %get3A_344] {strides = array<i32>} : memref<200x128xi32, #tpu.memory_space<vmem>>, vector<16xi32>,
        %get3A_346 = arith.index_cast %add3A_306 : i32 to index
        %get3A_347 = arith.constant 64 : index
        %get3A_348 = tpu.vector_load %arg13[%get3A_346, %get3A_347] {strides = array<i32>} : memref<200x128xf32, #tpu.memory_space<vmem>>, vector<16xf32>,
        %gather3A_349 = tpu.vector_load_idx %arg9[%get3A_345] : memref<1008xf32, #tpu.memory_space<vmem>>[vector<16xi32>], vector<16xf32>,
        %mul3A_350 = arith.mulf %get3A_348, %gather3A_349 : vector<16xf32>
        %add3A_351 = arith.addf %add3A_275, %mul3A_350 : vector<16xf32>
        %get3A_352 = arith.index_cast %add3A_306 : i32 to index
        %get3A_353 = arith.constant 80 : index
        %get3A_354 = tpu.vector_load %arg11[%get3A_352, %get3A_353] {strides = array<i32>} : memref<200x128xi32, #tpu.memory_space<vmem>>, vector<16xi32>,
        %get3A_355 = arith.index_cast %add3A_306 : i32 to index
        %get3A_356 = arith.constant 80 : index
        %get3A_357 = tpu.vector_load %arg13[%get3A_355, %get3A_356] {strides = array<i32>} : memref<200x128xf32, #tpu.memory_space<vmem>>, vector<16xf32>,
        %gather3A_358 = tpu.vector_load_idx %arg9[%get3A_354] : memref<1008xf32, #tpu.memory_space<vmem>>[vector<16xi32>], vector<16xf32>,
        %mul3A_359 = arith.mulf %get3A_357, %gather3A_358 : vector<16xf32>
        %add3A_360 = arith.addf %add3A_284, %mul3A_359 : vector<16xf32>
        %get3A_361 = arith.index_cast %add3A_306 : i32 to index
        %get3A_362 = arith.constant 96 : index
        %get3A_363 = tpu.vector_load %arg11[%get3A_361, %get3A_362] {strides = array<i32>} : memref<200x128xi32, #tpu.memory_space<vmem>>, vector<16xi32>,
        %get3A_364 = arith.index_cast %add3A_306 : i32 to index
        %get3A_365 = arith.constant 96 : index
        %get3A_366 = tpu.vector_load %arg13[%get3A_364, %get3A_365] {strides = array<i32>} : memref<200x128xf32, #tpu.memory_space<vmem>>, vector<16xf32>,
        %gather3A_367 = tpu.vector_load_idx %arg9[%get3A_363] : memref<1008xf32, #tpu.memory_space<vmem>>[vector<16xi32>], vector<16xf32>,
        %mul3A_368 = arith.mulf %get3A_366, %gather3A_367 : vector<16xf32>
        %add3A_369 = arith.addf %add3A_293, %mul3A_368 : vector<16xf32>
        %get3A_370 = arith.index_cast %add3A_306 : i32 to index
        %get3A_371 = arith.constant 112 : index
        %get3A_372 = tpu.vector_load %arg11[%get3A_370, %get3A_371] {strides = array<i32>} : memref<200x128xi32, #tpu.memory_space<vmem>>, vector<16xi32>,
        %get3A_373 = arith.index_cast %add3A_306 : i32 to index
        %get3A_374 = arith.constant 112 : index
        %get3A_375 = tpu.vector_load %arg13[%get3A_373, %get3A_374] {strides = array<i32>} : memref<200x128xf32, #tpu.memory_space<vmem>>, vector<16xf32>,
        %gather3A_376 = tpu.vector_load_idx %arg9[%get3A_372] : memref<1008xf32, #tpu.memory_space<vmem>>[vector<16xi32>], vector<16xf32>,
        %mul3A_377 = arith.mulf %get3A_375, %gather3A_376 : vector<16xf32>
        %add3A_378 = arith.addf %add3A_302, %mul3A_377 : vector<16xf32>
        scf.yield %add3A_315, %add3A_324, %add3A_333, %add3A_342, %add3A_351, %add3A_360, %add3A_369, %add3A_378 : vector<16xf32>, vector<16xf32>, vector<16xf32>, vector<16xf32>, vector<16xf32>, vector<16xf32>, vector<16xf32>, vector<16xf32>
      }
      %scan3A_170 = arith.constant 100 : i32
      %mul3A_171 = arith.constant 128 : i32
      %mul3A_172 = arith.muli %add3A_164, %mul3A_171 : i32
      %add3A_173 = arith.constant 0 : i32
      %add3A_174 = arith.addi %mul3A_172, %add3A_173 : i32
      %swap3A_175 = arith.index_cast %add3A_174 : i32 to index
      %swap3A_176 = tpu.vector_load %arg14[%swap3A_175] {strides = array<i32>} : memref<512xf32, #tpu.memory_space<vmem>>, vector<16xf32>,
      tpu.vector_store %arg14[%swap3A_175], %scan3A_169#0 {strides = array<i32>} : memref<512xf32, #tpu.memory_space<vmem>>, vector<16xf32>,
      %mul3A_177 = arith.constant 128 : i32
      %mul3A_178 = arith.muli %add3A_164, %mul3A_177 : i32
      %add3A_179 = arith.constant 16 : i32
      %add3A_180 = arith.addi %mul3A_178, %add3A_179 : i32
      %swap3A_181 = arith.index_cast %add3A_180 : i32 to index
      %swap3A_182 = tpu.vector_load %arg14[%swap3A_181] {strides = array<i32>} : memref<512xf32, #tpu.memory_space<vmem>>, vector<16xf32>,
      tpu.vector_store %arg14[%swap3A_181], %scan3A_169#1 {strides = array<i32>} : memref<512xf32, #tpu.memory_space<vmem>>, vector<16xf32>,
      %mul3A_183 = arith.constant 128 : i32
      %mul3A_184 = arith.muli %add3A_164, %mul3A_183 : i32
      %add3A_185 = arith.constant 32 : i32
      %add3A_186 = arith.addi %mul3A_184, %add3A_185 : i32
      %swap3A_187 = arith.index_cast %add3A_186 : i32 to index
      %swap3A_188 = tpu.vector_load %arg14[%swap3A_187] {strides = array<i32>} : memref<512xf32, #tpu.memory_space<vmem>>, vector<16xf32>,
      tpu.vector_store %arg14[%swap3A_187], %scan3A_169#2 {strides = array<i32>} : memref<512xf32, #tpu.memory_space<vmem>>, vector<16xf32>,
      %mul3A_189 = arith.constant 128 : i32
      %mul3A_190 = arith.muli %add3A_164, %mul3A_189 : i32
      %add3A_191 = arith.constant 48 : i32
      %add3A_192 = arith.addi %mul3A_190, %add3A_191 : i32
      %swap3A_193 = arith.index_cast %add3A_192 : i32 to index
      %swap3A_194 = tpu.vector_load %arg14[%swap3A_193] {strides = array<i32>} : memref<512xf32, #tpu.memory_space<vmem>>, vector<16xf32>,
      tpu.vector_store %arg14[%swap3A_193], %scan3A_169#3 {strides = array<i32>} : memref<512xf32, #tpu.memory_space<vmem>>, vector<16xf32>,
      %mul3A_195 = arith.constant 128 : i32
      %mul3A_196 = arith.muli %add3A_164, %mul3A_195 : i32
      %add3A_197 = arith.constant 64 : i32
      %add3A_198 = arith.addi %mul3A_196, %add3A_197 : i32
      %swap3A_199 = arith.index_cast %add3A_198 : i32 to index
      %swap3A_200 = tpu.vector_load %arg14[%swap3A_199] {strides = array<i32>} : memref<512xf32, #tpu.memory_space<vmem>>, vector<16xf32>,
      tpu.vector_store %arg14[%swap3A_199], %scan3A_169#4 {strides = array<i32>} : memref<512xf32, #tpu.memory_space<vmem>>, vector<16xf32>,
      %mul3A_201 = arith.constant 128 : i32
      %mul3A_202 = arith.muli %add3A_164, %mul3A_201 : i32
      %add3A_203 = arith.constant 80 : i32
      %add3A_204 = arith.addi %mul3A_202, %add3A_203 : i32
      %swap3A_205 = arith.index_cast %add3A_204 : i32 to index
      %swap3A_206 = tpu.vector_load %arg14[%swap3A_205] {strides = array<i32>} : memref<512xf32, #tpu.memory_space<vmem>>, vector<16xf32>,
      tpu.vector_store %arg14[%swap3A_205], %scan3A_169#5 {strides = array<i32>} : memref<512xf32, #tpu.memory_space<vmem>>, vector<16xf32>,
      %mul3A_207 = arith.constant 128 : i32
      %mul3A_208 = arith.muli %add3A_164, %mul3A_207 : i32
      %add3A_209 = arith.constant 96 : i32
      %add3A_210 = arith.addi %mul3A_208, %add3A_209 : i32
      %swap3A_211 = arith.index_cast %add3A_210 : i32 to index
      %swap3A_212 = tpu.vector_load %arg14[%swap3A_211] {strides = array<i32>} : memref<512xf32, #tpu.memory_space<vmem>>, vector<16xf32>,
      tpu.vector_store %arg14[%swap3A_211], %scan3A_169#6 {strides = array<i32>} : memref<512xf32, #tpu.memory_space<vmem>>, vector<16xf32>,
      %mul3A_213 = arith.constant 128 : i32
      %mul3A_214 = arith.muli %add3A_164, %mul3A_213 : i32
      %add3A_215 = arith.constant 112 : i32
      %add3A_216 = arith.addi %mul3A_214, %add3A_215 : i32
      %swap3A_217 = arith.index_cast %add3A_216 : i32 to index
      %swap3A_218 = tpu.vector_load %arg14[%swap3A_217] {strides = array<i32>} : memref<512xf32, #tpu.memory_space<vmem>>, vector<16xf32>,
      tpu.vector_store %arg14[%swap3A_217], %scan3A_169#7 {strides = array<i32>} : memref<512xf32, #tpu.memory_space<vmem>>, vector<16xf32>,
    }
    %scan3A_41 = arith.constant 2 : i32
    %dma_wait3A = arith.constant 0 : i32
    %dma_wait3A_42 = arith.constant 0 : i32
    %dma_wait3A_43 = tpu.memref_slice %arg2[%dma_wait3A, %dma_wait3A_42] : memref<200x16384xi32, #tpu.memory_space<hbm>> -> memref<200x128xi32, #tpu.memory_space<hbm>>
    %dma_wait3A_44 = arith.constant 0 : i32
    %dma_wait3A_45 = arith.constant 0 : i32
    %dma_wait3A_46 = tpu.memref_slice %arg2[%dma_wait3A_44, %dma_wait3A_45] : memref<200x16384xi32, #tpu.memory_space<hbm>> -> memref<200x128xi32, #tpu.memory_space<hbm>>
    tpu.wait_dma2 semaphore(%arg15 : memref<!tpu.dma_semaphore, #tpu.memory_space<semaphore_mem>>) src(%dma_wait3A_46 : memref<200x128xi32, #tpu.memory_space<hbm>>) dst(%arg10 : memref<200x128xi32, #tpu.memory_space<vmem>>)
    %dma_wait3A_47 = arith.constant 0 : i32
    %dma_wait3A_48 = arith.constant 0 : i32
    %dma_wait3A_49 = tpu.memref_slice %arg3[%dma_wait3A_47, %dma_wait3A_48] : memref<200x16384xf32, #tpu.memory_space<hbm>> -> memref<200x128xf32, #tpu.memory_space<hbm>>
    %dma_wait3A_50 = arith.constant 0 : i32
    %dma_wait3A_51 = arith.constant 0 : i32
    %dma_wait3A_52 = tpu.memref_slice %arg3[%dma_wait3A_50, %dma_wait3A_51] : memref<200x16384xf32, #tpu.memory_space<hbm>> -> memref<200x128xf32, #tpu.memory_space<hbm>>
    tpu.wait_dma2 semaphore(%arg15 : memref<!tpu.dma_semaphore, #tpu.memory_space<semaphore_mem>>) src(%dma_wait3A_52 : memref<200x128xf32, #tpu.memory_space<hbm>>) dst(%arg12 : memref<200x128xf32, #tpu.memory_space<vmem>>)
    "tpu.region"() ({
      %run_scoped3A = tpu.sem_alloc : memref<!tpu.dma_semaphore, #tpu.memory_space<semaphore_mem>>
      %dma_start3A_53 = tpu.memref_slice %arg6[%mul3A_23] : memref<16384xf32, #tpu.memory_space<hbm>> -> memref<512xf32, #tpu.memory_space<hbm>>
      %dma_start3A_54 = tpu.memref_slice %arg6[%mul3A_23] : memref<16384xf32, #tpu.memory_space<hbm>> -> memref<512xf32, #tpu.memory_space<hbm>>
      tpu.enqueue_dma source(%arg14 : memref<512xf32, #tpu.memory_space<vmem>>) target(%dma_start3A_54 : memref<512xf32, #tpu.memory_space<hbm>>) target_semaphore(%run_scoped3A : memref<!tpu.dma_semaphore, #tpu.memory_space<semaphore_mem>>)
      %dma_wait3A_55 = tpu.memref_slice %arg6[%mul3A_23] : memref<16384xf32, #tpu.memory_space<hbm>> -> memref<512xf32, #tpu.memory_space<hbm>>
      %dma_wait3A_56 = tpu.memref_slice %arg6[%mul3A_23] : memref<16384xf32, #tpu.memory_space<hbm>> -> memref<512xf32, #tpu.memory_space<hbm>>
      tpu.wait_dma2 semaphore(%run_scoped3A : memref<!tpu.dma_semaphore, #tpu.memory_space<semaphore_mem>>) src(%arg14 : memref<512xf32, #tpu.memory_space<vmem>>) dst(%dma_wait3A_56 : memref<512xf32, #tpu.memory_space<hbm>>)
      tpu.yield
    }) : () -> ()
    return
  }
}

</mosaic_0001>

<sc_bundles>
// kernel: kernel.3.cloned.1.call-start
scs
__scs_entry_jumppad:
0x0: {  	(pc) =	sbr.rel $0x88, $3  }
0x1: {  	(tag) =	ssettag $0x0;
	lr =	simm.s32 $0x1  }
0x2: {  	[smem:$0x3F9D] =	sst lr;
	_ =	strace $0xD0000000  }
0x3: {  	_ = 	snop  }
0x4: {  	_ = 	snop  }
0x5: {  	_ = 	snop  }
0x6: {  	_ = 	snop  }
0x7: {  	_ = 	snop  }
__scs_overlays_trampoline_lowered:
0x8: {  	[smem:$0x3FAC] =	sst s0  }
0x9: {  	[smem:$0x3FAD] =	sst s1  }
0xa: {  	[smem:$0x3FAE] =	sst s2  }
0xb: {  	[smem:$0x3FAF] =	sst s3  }
0xc: {  	[smem:$0x3FB0] =	sst s4  }
0xd: {  	[smem:$0x3FB1] =	sst s5  }
0xe: {  	[smem:$0x3FB2] =	sst s6  }
0xf: {  	[smem:$0x3FB3] =	sst s7  }
0x10: {  	[smem:$0x3FB4] =	sst s8  }
0x11: {  	[smem:$0x3FB5] =	sst s9;
	s0 =	simm.s32 @!p0 $0x0  }
0x12: {  	s1 =	sld [smem:$0x3F9B];
	s0 =	simm.s32 @p0 $0x1  }
0x13: {  	[smem:$0x3FB6] =	sst s0;
	s0 =	simm.s32 @!p1 $0x0  }
0x14: {  	s2 =	sld [smem:$0x3F9A];
	s0 =	simm.s32 @p1 $0x1  }
0x15: {  	[smem:$0x3FB7] =	sst s0;
	s0 =	simm.s32 @!p2 $0x0  }
0x16: {  	s3 =	sld [smem:$0x3FDB];
	s0 =	simm.s32 @p2 $0x1  }
0x17: {  	s4 =	simm.s32 $0x1BF5;
	[smem:$0x3FB9] =	sst s0  }
0x18: {  	s0 =	sld [smem:$0x3F9C];
	_ =	swait.ge [sflag:s4], $0x0  }
0x19: {  	s7 =	sld [smem:$0x3F9D]  }
0x1a: {  	s8 =	sadd.s32 $0xFFFFE003, lr  }
0x1b: {  	s9 =	sadd.s32 $0xFFFFFEF7, lr;
	s5 =	simm.s32 $0xFFFFFFFF;
	p2 =	slt.u32 s8, $0xFFFFF086  }
0x1c: {  	p1 =	slt.u32 s9, $0xF7A;
	s5 =	simm.s32 @!p2 $0x0  }
0x1d: {  	s5 =	simm.s32 @p1 $0x1;
	p0 =	seq.s32 s7, s2  }
0x1e: {  	s7 =	smul.u32 @!p0 $0xF7A, s2;
	p2 =	seq.s32 @!p0 s5, $0x0  }
0x1f: {  	s9 =	smul.u32 $0xF7A, s1;
	s8 =	simm.s32 @!p0 $0x1BF5;
	p2 =	por !p2, p0  }
0x20: {  	[sflag:s8] =	ssyncset.s32 @!p0 $0xFFFFF086;
	s6 =	sadd.s32 @!p0 s3, s7;
	s7 =	simm.s32 @!p0 $0x108  }
0x21: {  	s3 =	sadd.s32 s3, s9;
	s6 =	sadd.s32 @!p0 $0x88, s6;
	s7 =	simm.s32 @p2 $0x1082  }
0x22: {  	[simem:s7], [sflag:s8] =	dma.local @!p0 [hbm:s6], $0xF7A  }
0x23: {  	s9 =	sor.u32 $0xD0000000, s2;
	s6 =	simm.s32 $0x108;
	_ =	swait.ge @!p0 [sflag:s8], $0x0  }
0x24: {  	s3 =	sadd.s32 $0x88, s3;
	s6 =	simm.s32 @!p1 $0x1082;
	[sflag:s4] =	ssyncset.s32 $0xFFFFF086  }
0x25: {  	[simem:s6], [sflag:s4] =	dma.local [hbm:s3], $0xF7A  }
0x26: {  	[smem:$0x3F9D] =	sst s1;
	(tag) =	ssettag s2;
	_ =	strace s9  }
0x27: {  	s1 =	sld [smem:$0x3FAD]  }
0x28: {  	s2 =	sld [smem:$0x3FAE]  }
0x29: {  	s4 =	sld [smem:$0x3FB0]  }
0x2a: {  	p0 =	seq.s32 s5, $0x0;
	s5 =	sld [smem:$0x3FB1]  }
0x2b: {  	s6 =	sld [smem:$0x3FB2]  }
0x2c: {  	s7 =	sld [smem:$0x3FB3]  }
0x2d: {  	s3 =	simm.s32 $0x108;
	s8 =	sld [smem:$0x3FB4]  }
0x2e: {  	s3 =	simm.s32 @!p0 $0x1082;
	s9 =	sld [smem:$0x3FB5]  }
0x2f: {  	lr =	sadd.s32 s0, s3;
	s0 =	sld [smem:$0x3FAC]  }
0x30: {  	s3 =	sld [smem:$0x3FAF]  }
0x31: {  	[smem:$0x3FB8] =	sst s10  }
0x32: {  	s10 =	sld [smem:$0x3FB6];
	_ =	sdelay $0x3  }
0x33: {  	p0 =	seq.s32 s10, $0x1;
	s10 =	sld [smem:$0x3FB8];
	_ =	sdelay $0x3  }
0x34: {  	[smem:$0x3FB8] =	sst s10  }
0x35: {  	s10 =	sld [smem:$0x3FB7];
	_ =	sdelay $0x3  }
0x36: {  	p1 =	seq.s32 s10, $0x1;
	s10 =	sld [smem:$0x3FB8];
	_ =	sdelay $0x3  }
0x37: {  	[smem:$0x3FB8] =	sst s10  }
0x38: {  	s10 =	sld [smem:$0x3FB9]  }
0x39: {  	_ = 	snop;
	(pc) =	sbr.ind lr, $3  }
0x3a: {  	_ = 	snop  }
0x3b: {  	_ = 	snop  }
0x3c: {  	p2 =	seq.s32 s10, $0x1;
	s10 =	sld [smem:$0x3FB8]  }
0x3d: {  	_ =	shalt  }
0x3e: {  	_ =	shalt  }
0x3f: {  	_ =	shalt  }
0x40: {  	_ =	shalt  }
0x41: {  	_ =	shalt  }
0x42: {  	_ =	shalt  }
0x43: {  	_ =	shalt  }
0x44: {  	_ =	shalt  }
0x45: {  	_ =	shalt  }
0x46: {  	_ =	shalt  }
0x47: {  	_ =	shalt  }
0x48: {  	_ =	shalt  }
0x49: {  	_ =	shalt  }
0x4a: {  	_ =	shalt  }
0x4b: {  	_ =	shalt  }
0x4c: {  	_ =	shalt  }
0x4d: {  	_ =	shalt  }
0x4e: {  	_ =	shalt  }
0x4f: {  	_ =	shalt  }
0x50: {  	_ =	shalt  }
0x51: {  	_ =	shalt  }
0x52: {  	_ =	shalt  }
0x53: {  	_ =	shalt  }
0x54: {  	_ =	shalt  }
0x55: {  	_ =	shalt  }
0x56: {  	_ =	shalt  }
0x57: {  	_ =	shalt  }
0x58: {  	_ =	shalt  }
0x59: {  	_ =	shalt  }
0x5a: {  	_ =	shalt  }
0x5b: {  	_ =	shalt  }
0x5c: {  	_ =	shalt  }
0x5d: {  	_ =	shalt  }
0x5e: {  	_ =	shalt  }
0x5f: {  	_ =	shalt  }
0x60: {  	_ =	shalt  }
0x61: {  	_ =	shalt  }
0x62: {  	_ =	shalt  }
0x63: {  	_ =	shalt  }
0x64: {  	_ =	shalt  }
0x65: {  	_ =	shalt  }
0x66: {  	_ =	shalt  }
0x67: {  	_ =	shalt  }
0x68: {  	_ =	shalt  }
0x69: {  	_ =	shalt  }
0x6a: {  	_ =	shalt  }
0x6b: {  	_ =	shalt  }
0x6c: {  	_ =	shalt  }
0x6d: {  	_ =	shalt  }
0x6e: {  	_ =	shalt  }
0x6f: {  	_ =	shalt  }
0x70: {  	_ =	shalt  }
0x71: {  	_ =	shalt  }
0x72: {  	_ =	shalt  }
0x73: {  	_ =	shalt  }
0x74: {  	_ =	shalt  }
0x75: {  	_ =	shalt  }
0x76: {  	_ =	shalt  }
0x77: {  	_ =	shalt  }
0x78: {  	_ =	shalt  }
0x79: {  	_ =	shalt  }
0x7a: {  	_ =	shalt  }
0x7b: {  	_ =	shalt  }
0x7c: {  	_ =	shalt  }
0x7d: {  	_ =	shalt  }
0x7e: {  	_ =	shalt  }
0x7f: {  	_ =	shalt  }
0x80: {  	_ =	shalt  }
0x81: {  	_ =	shalt  }
0x82: {  	_ =	shalt  }
0x83: {  	_ =	shalt  }
0x84: {  	_ =	shalt  }
0x85: {  	_ =	shalt  }
0x86: {  	_ =	shalt  }
0x87: {  	_ =	shalt  }
.Lfunc_end0:
.L_simem_size_0:
called_computation_lowered:
.L_overlay_start_0:
0x88: {  	s2 =	sld [smem:$0x3FD9]  }
0x89: {  	s3 =	sld [smem:$0x3FFE];
	_ =	sdelay $0x1  }
0x8a: {  	s1 =	srdreg.scid  }
0x8b: {  	s0 =	sand.u32 $0x1, s1  }
0x8c: {  	s17 =	sshll.u32 s0, $0xA;
	s2 =	sadd.s32 s3, s2  }
0x8d: {  	s2 =	sadd.s32 s2, s17  }
0x8e: {  	[smem:$0x3FC4] =	sst s2  }
0x8f: {  	_ = 	snop  }
0x90: {  	s2 =	sld [smem:$0x3FC9]  }
0x91: {  	s18 =	sld [smem:$0x3FC8]  }
0x92: {  	s4 =	sld [smem:$0x3FC7]  }
0x93: {  	s5 =	sld [smem:$0x3FD0];
	(tm) =	ssettm $0x1  }
0x94: {  	s6 =	sld [smem:$0x3FFB];
	_ =	sdelay $0x3  }
0x95: {  	_ =	strace s6  }
0x96: {  	s6 =	sld [smem:$0x3FFC];
	_ =	sdelay $0x3  }
0x97: {  	_ =	strace s6  }
0x98: {  	s6 =	sld [smem:$0x3FFD];
	_ =	sdelay $0x3  }
0x99: {  	_ =	strace s6  }
0x9a: {  	_ =	strace $0x8FFFFFFF  }
0x9b: {  	s19 =	sld [smem:$0x3FDB];
	_ =	sdelay $0x1  }
0x9c: {  	s7 =	simm.s32 $_scs_section_size  }
0x9d: {  	s8 =	simm.s32 $_size__tile_overlayer_lowered;
	s9 =	simm.s32 $_tile_overlayer_lowered  }
0x9e: {  	s22 =	simm.s32 $0x1BFF;
	s21 =	sshll.u32 s9, $0x1;
	s6 =	sadd.s32 s7, s19  }
0x9f: {  	s10 =	simm.s32 $0x0;
	s20 =	sshll.u32 s8, $0x1;
	s8 =	sadd.s32 s21, s6  }
0xa0: {  	[timem:s10], [sflag:s22] =	dma.local [hbm:s8], s20  }
0xa1: {  	_ =	swait.ge [sflag:s22], s20  }
0xa2: {  	s7 =	ssub.s32 $0x0, s20;
	[sflag:s22] =	ssyncset.done $0x0  }
0xa3: {  	[sflag:s22] =	ssyncadd.s32 s7;
	_ =	sdelay $0x1  }
0xa4: {  	s23 =	simm.s32 $0x1B8B  }
0xa5: {  	_ =	swait.ge [sflag:s23], $0x1  }
0xa6: {  	[sflag:s23] =	ssyncset.done $0x0  }
0xa7: {  	s25 =	simm.s32 $0x1B8E;
	s24 =	sld [smem:$0x3FFE];
	[sflag:s23] =	ssyncadd.s32 $0xFFFFFFFF  }
0xa8: {  	s26 =	simm.s32 $execute0_lowered;
	[smem:$0x3FD2] =	sst s25  }
0xa9: {  	s8 =	sshll.u32 s26, $0x1;
	_ =	strace $0x80000046;
	[dreg:$0x1] =	wrdreg $0xFFFFFFFF  }
0xaa: {  	s28 =	simm.s32 $_size_execute0_lowered;
	s6 =	sadd.s32 s6, s8;
	[dreg:$0x0] =	wrdreg $0x0  }
0xab: {  	s8 =	sshll.u32 s28, $0x1;
	[dreg:$0x2] =	wrdreg s6  }
0xac: {  	[dreg:$0x3] =	wrdreg s8  }
0xad: {  	[dreg:$0x4] =	wrdreg $0xC0  }
0xae: {  	_ =	task [dreg:s10], $0x5FFFF  }
0xaf: {  	[dreg:$0x1] =	wrdreg $0xFFFFFFFF  }
0xb0: {  	[dreg:$0x0] =	wrdreg $0x60  }
0xb1: {  	[dreg:$0x2] =	wrdreg s2  }
0xb2: {  	[dreg:$0x3] =	wrdreg s18  }
0xb3: {  	[dreg:$0x4] =	wrdreg s4  }
0xb4: {  	[dreg:$0x5] =	wrdreg s24  }
0xb5: {  	[dreg:$0x6] =	wrdreg s5  }
0xb6: {  	[dreg:$0x7] =	wrdreg $0x9  }
0xb7: {  	_ =	task.clear_ibuf [dreg:s10], $0x8FFFF;
	_ =	strace $0x90000046  }
0xb8: {  	s29 =	simm.s32 $0x9;
	_ =	strace $0x80000048  }
0xb9: {  	_ =	swait.ge [sflag:s29], $0x1  }
0xba: {  	[sflag:s29] =	ssyncadd.s32 $0xFFFFFFFF  }
0xbb: {  	_ =	strace $0x90000048  }
0xbc: {  	_ =	sfence  }
0xbd: {  	s30 =	sld [smem:$0x0];
	_ =	sdelay $0x2  }
0xbe: {  	s31 =	sshll.u32 s1, $0xD;
	s1 =	sshrl.u32 s1, $0x2  }
0xbf: {  	s3 =	sand.u32 $0x4000, s31;
	s1 =	sadd.s32 s1, s30  }
0xc0: {  	s0 =	sor.u32 s3, s0;
	s1 =	sshll.u32 s1, $0x11  }
0xc1: {  	s0 =	sor.u32 s1, s0  }
0xc2: {  	s0 =	sadd.s32 $0x8F2B, s0  }
0xc3: {  	[sflag:s0] =	ssyncadd.remote.s32 $0x1  }
0xc4: {  	_ =	sfence.sel $0xFFFF  }
0xc5: {  	[dreg:$0x0] =	wrdreg $0xFFFFFFFF;
	(pc) =	sbr.abs _section_cstart, $3  }
0xc6: {  	[dreg:$0x1] =	wrdreg $0xFFFFFFFF  }
0xc7: {  	_ =	task.clear_ibuf [dreg:s10], $0x2FFFF;
	_ =	strace $0x9FFFFFFF  }
0xc8: {  	(tm) =	ssettm $0x7FFFFFFF  }
0xc9: {  	_ =	shalt  }
tec
execute0_lowered:
.L_overlay_start_1:
0x0: {  	(tag) =	ssettag $0x1  }
0x1: {  	s1 =	rddreg [dreg:$0x0]  }
0x2: {  	s2 =	rddreg [dreg:$0x1]  }
0x3: {  	s3 =	rddreg [dreg:$0x2]  }
0x4: {  	s7 =	rddreg [dreg:$0x3]  }
0x5: {  	s11 =	rddreg [dreg:$0x4]  }
0x6: {  	s0 =	rddreg [dreg:$0x5];
	s5 =	simm.s32 $0x0;
	s6 =	srdreg.scid  }
0x7: {  	s4 =	stileid.u32;
	s14 =	simm.s32 $0x1000;
	s15 =	simm.s32 $0x400  }
0x8: {  	s16 =	simm.s32 $0x20000;
	s17 =	simm.s32 $0x1480;
	s18 =	simm.s32 $0xDC80  }
0x9: {  	s19 =	simm.s32 $0x7880;
	s20 =	simm.s32 $0x14080;
	s21 =	simm.s32 $0x1  }
0xa: {  	s22 =	simm.s32 $0x1080;
	s23 =	simm.s32 $0x2;
	s24 =	simm.s32 $0x1A480  }
0xb: {  	s25 =	simm.s32 $0x0;
	[smem:$0x7FF] =	sst s5;
	s6 =	sand.u32 $0x1, s6  }
0xc: {  	s9 =	sshll.u32 s4, $0xA;
	s8 =	ssub.s32 $0x2, s6;
	s6 =	sshll.u32 s6, $0x9  }
0xd: {  	s7 =	sadd.s32 $0x400, s7;
	s10 =	sshrl.u32 s8, $0x1;
	s6 =	sor.u32 s6, s9  }
0xe: {  	_ =	strace $0x80000047;
	s12 =	ssub.s32 s8, s10;
	s8 =	sadd.s32 s1, s6  }
0xf: {  	s9 =	sadd.s32 s2, s6;
	s10 =	sor.u32 $0x100, s6;
	s13 =	sshrl.u32 s6, $0x3  }
0x10: {  	v0 =	vlaneseq.u32;
	s11 =	sadd.s32 s11, s13;
	s12 =	smax.u32 s12, $0x1;
	s13 =	simm.s32 $0x3  }
.LBB2_1:
0x11: {  	[tilespmem:s5], [sflag:$0x3] =	stream.linear.gather [hbm4b:s3+s5], $0x1000, $0x38;
	[tilespmem:$0x1A680] =	vst v63  }
0x12: {  	v1 =	vmov s5;
	_ =	swait.ge [sflag:s13], $0x1000  }
0x13: {  	v2 =	vor.u32 s5, v0;
	v1 =	vshll.u32 v1, $0x2;
	[sflag:s13] =	ssyncset.done $0x0  }
0x14: {  	v2 =	vand.u32 $0x7F, v2;
	v1 =	vand.u32 $0xE00, v1;
	[sflag:s13] =	ssyncadd.s32 $0xFFFFF000  }
0x15: {  	v3 =	vor.u32 v2, v1;
	[tilespmem:s14], [sflag:$0x3] =	stream.linear.gather [hbm4b:s7+s5], $0x80, $0x38;
	[tilespmem:$0x1A680] =	vst v63  }
0x16: {  	_ =	swait.ge [sflag:s13], $0x80  }
0x17: {  	v4 =	vor.u32 $0x80, v3;
	[sflag:s13] =	ssyncset.done $0x0  }
0x18: {  	[sflag:s13] =	ssyncadd.s32 $0xFFFFFF80  }
0x19: {  	v5 =	vor.u32 $0x100, v3;
	v1 =	vld [tilespmem:$0x1000]  }
0x1a: {  	v6 =	vld.idx.msk [tilespmem:v3+s5+$0x0], $0xffff  }
0x1b: {  	v7 =	vor.u32 $0x180, v3;
	v2 =	vld [tilespmem:$0x1010]  }
0x1c: {  	v8 =	vld.idx.msk [tilespmem:v4+s5+$0x0], $0xffff  }
0x1d: {  	v3 =	vld [tilespmem:$0x1020]  }
0x1e: {  	v5 =	vld.idx.msk [tilespmem:v5+s5+$0x0], $0xffff  }
0x1f: {  	v4 =	vld [tilespmem:$0x1030];
	v6 =	vmul.f32 v6, v1  }
0x20: {  	v7 =	vld.idx.msk [tilespmem:v7+s5+$0x0], $0xffff  }
0x21: {  	s26 =	simm.s32 $0x10;
	v8 =	vmul.f32 v8, v2;
	v6 =	vadd.f32 $0.0e+00, v6  }
0x22: {  	v9 =	vmov s26;
	v10 =	vor.u32 s26, v0  }
0x23: {  	v9 =	vshll.u32 v9, $0x2;
	v5 =	vmul.f32 v5, v3;
	v6 =	vadd.f32 v8, v6  }
0x24: {  	v9 =	vand.u32 $0xE00, v9;
	v8 =	vand.u32 $0x7F, v10  }
0x25: {  	v8 =	vor.u32 v8, v9;
	v5 =	vadd.f32 v5, v6;
	v6 =	vmul.f32 v7, v4;
	_ =	sdelay $0x1  }
0x26: {  	v5 =	vadd.f32 v6, v5  }
0x27: {  	v6 =	vor.u32 $0x80, v8  }
0x28: {  	[tilespmem:s22+$0x0] =	vst v5  }
0x29: {  	v7 =	vor.u32 $0x100, v8;
	v5 =	vld.idx.msk [tilespmem:v8+s5+$0x0], $0xffff;
	_ =	sdelay $0x1  }
0x2a: {  	v8 =	vor.u32 $0x180, v8  }
0x2b: {  	v9 =	vld.idx.msk [tilespmem:v6+s5+$0x0], $0xffff;
	_ =	sdelay $0x1  }
0x2c: {  	v6 =	vld.idx.msk [tilespmem:v7+s5+$0x0], $0xffff;
	v5 =	vmul.f32 v5, v1;
	_ =	sdelay $0x1  }
0x2d: {  	v7 =	vadd.f32 $0.0e+00, v5;
	v5 =	vld.idx.msk [tilespmem:v8+s5+$0x0], $0xffff  }
0x2e: {  	s31 =	simm.s32 $0x20;
	v8 =	vmul.f32 v9, v2  }
0x2f: {  	s28 =	simm.s32 $0x30;
	s26 =	simm.s32 $0x1080;
	v10 =	vmov s31;
	v9 =	vor.u32 s31, v0  }
.LBB2_2:
0x30: {  	p0 =	sne.s32 s28, $0x3E0;
	v10 =	vshll.u32 v10, $0x2;
	v7 =	vadd.f32 v8, v7;
	v6 =	vmul.f32 v6, v3  }
0x31: {  	v8 =	vand.u32 $0x7F, v9;
	v9 =	vand.u32 $0xE00, v10  }
0x32: {  	v5 =	vmul.f32 v5, v4;
	v8 =	vor.u32 v8, v9;
	v6 =	vadd.f32 v6, v7;
	_ =	sdelay $0x1  }
0x33: {  	v7 =	vor.u32 $0x80, v8;
	v5 =	vadd.f32 v5, v6  }
0x34: {  	s26 =	sadd.s32 $0x10, s26  }
0x35: {  	v6 =	vor.u32 $0x100, v8;
	[tilespmem:s26+$0x0] =	vst v5  }
0x36: {  	v5 =	vld.idx.msk [tilespmem:v8+s5+$0x0], $0xffff  }
0x37: {  	v8 =	vor.u32 $0x180, v8  }
0x38: {  	v9 =	vld.idx.msk [tilespmem:v7+s5+$0x0], $0xffff;
	_ =	sdelay $0x1  }
0x39: {  	v6 =	vld.idx.msk [tilespmem:v6+s5+$0x0], $0xffff  }
.Ltmp0:
0x3a: {  	(pc) =	sbr.rel @p0 .LBB2_2-.Ltmp0, $3  }
0x3b: {  	v7 =	vmul.f32 v5, v1;
	v5 =	vld.idx.msk [tilespmem:v8+s5+$0x0], $0xffff;
	_ =	sdelay $0x1  }
0x3c: {  	v7 =	vadd.f32 $0.0e+00, v7;
	v8 =	vmul.f32 v9, v2  }
0x3d: {  	v10 =	vmov s28;
	v9 =	vor.u32 s28, v0;
	s28 =	sadd.s32 $0x10, s28  }
0x3e: {  	v10 =	vshll.u32 v10, $0x2;
	v7 =	vadd.f32 v8, v7;
	v6 =	vmul.f32 v6, v3  }
0x3f: {  	v59 =	vand.u32 $0x7F, v9;
	v60 =	vand.u32 $0xE00, v10  }
0x40: {  	v5 =	vmul.f32 v5, v4;
	v8 =	vor.u32 v59, v60;
	v6 =	vadd.f32 v6, v7;
	_ =	sdelay $0x1  }
0x41: {  	v61 =	vor.u32 $0x80, v8;
	v5 =	vadd.f32 v5, v6  }
0x42: {  	s26 =	sadd.s32 $0x10, s26  }
0x43: {  	v62 =	vor.u32 $0x100, v8;
	[tilespmem:s26+$0x0] =	vst v5  }
0x44: {  	v5 =	vld.idx.msk [tilespmem:v8+s5+$0x0], $0xffff  }
0x45: {  	v8 =	vor.u32 $0x180, v8  }
0x46: {  	v7 =	vld.idx.msk [tilespmem:v61+s5+$0x0], $0xffff;
	_ =	sdelay $0x1  }
0x47: {  	v6 =	vld.idx.msk [tilespmem:v62+s5+$0x0], $0xffff  }
0x48: {  	v1 =	vmul.f32 v5, v1  }
0x49: {  	v63 =	vld.idx.msk [tilespmem:v8+s5+$0x0], $0xffff  }
0x4a: {  	v2 =	vmul.f32 v7, v2;
	v1 =	vadd.f32 $0.0e+00, v1;
	_ =	sdelay $0x1  }
0x4b: {  	v1 =	vadd.f32 v2, v1;
	v2 =	vmul.f32 v6, v3;
	_ =	sdelay $0x1  }
0x4c: {  	v1 =	vadd.f32 v2, v1;
	v2 =	vmul.f32 v63, v4;
	_ =	sdelay $0x1  }
0x4d: {  	v1 =	vadd.f32 v2, v1  }
0x4e: {  	s26 =	sadd.s32 $0x10, s26  }
0x4f: {  	[tilespmem:s26+$0x0] =	vst v1  }
0x50: {  	[tilespmem:s17], [sflag:$0x1] =	stream.strided.gather [hbm4b:s8+s15], $0x6400, s16, s15, $0x38;
	[tilespmem:$0x1A680] =	vst v63  }
0x51: {  	s28 =	simm.s32 $0x0;
	p1 =	por $0x1, $0x1  }
0x52: {  	[tilespmem:s18], [sflag:$0x1] =	stream.strided.gather [hbm4b:s9+s15], $0x6400, s16, s15, $0x38;
	[tilespmem:$0x1A680] =	vst v63  }
.LBB2_4:
0x53: {  	s26 =	sshllo.u32 s28, $0x1  }
0x54: {  	s26 =	sshll.u32 s26, $0x7  }
0x55: {  	s29 =	sor.u32 s6, s26  }
0x56: {  	s30 =	sadd.s32 s1, s29  }
0x57: {  	[tilespmem:s19], [sflag:$0x2] =	stream.strided.gather [hbm4b:s30+s15], $0x6400, s16, s15, $0x38;
	[tilespmem:$0x1A680] =	vst v63  }
0x58: {  	s29 =	sadd.s32 s2, s29  }
0x59: {  	[tilespmem:s20], [sflag:$0x2] =	stream.strided.gather [hbm4b:s29+s15], $0x6400, s16, s15, $0x38;
	[tilespmem:$0x1A680] =	vst v63  }
0x5a: {  	_ =	swait.ge [sflag:s21], $0x6400  }
0x5b: {  	[sflag:s21] =	ssyncset.done $0x0  }
0x5c: {  	[sflag:s21] =	ssyncadd.s32 $0xFFFF9C00  }
0x5d: {  	_ =	swait.ge [sflag:s21], $0x6400  }
0x5e: {  	[sflag:s21] =	ssyncset.done $0x0  }
0x5f: {  	s29 =	simm.s32 $0xF0;
	[sflag:s21] =	ssyncadd.s32 $0xFFFF9C00  }
0x60: {  	v7 =	vld [tilespmem:s29+$0xDC10]  }
0x61: {  	v10 =	vld [tilespmem:s29+$0xDC20]  }
0x62: {  	v11 =	vld [tilespmem:s29+$0xDC30]  }
0x63: {  	v14 =	vld [tilespmem:s29+$0xDC40]  }
0x64: {  	v15 =	vld [tilespmem:s29+$0xDC50]  }
0x65: {  	v17 =	vld [tilespmem:s29+$0xDC60]  }
0x66: {  	v1 =	vld [tilespmem:s29+$0xDC70]  }
0x67: {  	v23 =	vld [tilespmem:s29+$0xDB90]  }
0x68: {  	v22 =	vld [tilespmem:s29+$0xDBA0]  }
0x69: {  	v21 =	vld [tilespmem:s29+$0xDBB0]  }
0x6a: {  	v20 =	vld [tilespmem:s29+$0xDBC0]  }
0x6b: {  	v19 =	vld [tilespmem:s29+$0xDBD0]  }
0x6c: {  	v13 =	vld [tilespmem:s29+$0xDBE0]  }
0x6d: {  	v8 =	vld [tilespmem:s29+$0xDBF0]  }
0x6e: {  	v4 =	vld [tilespmem:s29+$0xDC00]  }
0x6f: {  	v2 =	vld [tilespmem:s29+$0x1410]  }
0x70: {  	v3 =	vld [tilespmem:s29+$0x1420]  }
0x71: {  	v5 =	vld [tilespmem:s29+$0x1430]  }
0x72: {  	v6 =	vld [tilespmem:s29+$0x1440]  }
0x73: {  	v39 =	vld [tilespmem:s29+$0x1450]  }
0x74: {  	v27 =	vld [tilespmem:s29+$0x1460]  }
0x75: {  	v25 =	vld [tilespmem:s29+$0x1470]  }
0x76: {  	v24 =	vld [tilespmem:s29+$0x1480]  }
0x77: {  	v29 =	vld [tilespmem:s29+$0x1390]  }
0x78: {  	v30 =	vld [tilespmem:s29+$0x13A0]  }
0x79: {  	v31 =	vld [tilespmem:s29+$0x13B0]  }
0x7a: {  	v32 =	vld [tilespmem:s29+$0x13C0]  }
0x7b: {  	v33 =	vld [tilespmem:s29+$0x13D0]  }
0x7c: {  	v34 =	vld [tilespmem:s29+$0x13E0]  }
0x7d: {  	v28 =	vld [tilespmem:s29+$0x13F0]  }
0x7e: {  	v26 =	vld [tilespmem:s29+$0x1400]  }
0x7f: {  	v35 =	vld.idx.msk [tilespmem:v2+s22+$0x0], $0xffff  }
0x80: {  	v37 =	vld.idx.msk [tilespmem:v3+s22+$0x0], $0xffff  }
0x81: {  	v18 =	vimm.f32 $0.0e+00;
	v16 =	vimm.f32 $0.0e+00;
	v36 =	vld.idx.msk [tilespmem:v5+s22+$0x0], $0xffff  }
0x82: {  	v12 =	vimm.f32 $0.0e+00;
	v9 =	vimm.f32 $0.0e+00;
	v38 =	vld.idx.msk [tilespmem:v6+s22+$0x0], $0xffff;
	v5 =	vimm.f32 $0.0e+00  }
0x83: {  	p0 =	por p1, p1;
	s30 =	simm.s32 $0x7C0;
	v39 =	vld.idx.msk [tilespmem:v39+s22+$0x0], $0xffff;
	v6 =	vimm.f32 $0.0e+00;
	v3 =	vimm.f32 $0.0e+00;
	v2 =	vimm.f32 $0.0e+00  }
.LBB2_5:
0x84: {  	p1 =	sne.s32 s30, $0x18FC0;
	v27 =	vld.idx.msk [tilespmem:v27+s22+$0x0], $0xffff  }
0x85: {  	v29 =	vld.idx.msk [tilespmem:v29+s22+$0x0], $0xffff  }
0x86: {  	v30 =	vld.idx.msk [tilespmem:v30+s22+$0x0], $0xffff  }
0x87: {  	v31 =	vld.idx.msk [tilespmem:v31+s22+$0x0], $0xffff  }
0x88: {  	v32 =	vld.idx.msk [tilespmem:v32+s22+$0x0], $0xffff  }
0x89: {  	v33 =	vld.idx.msk [tilespmem:v33+s22+$0x0], $0xffff  }
0x8a: {  	v35 =	vmul.f32 v35, v7;
	v37 =	vmul.f32 v37, v10;
	v34 =	vld.idx.msk [tilespmem:v34+s22+$0x0], $0xffff  }
0x8b: {  	v36 =	vmul.f32 v36, v11;
	v14 =	vmul.f32 v38, v14;
	v28 =	vld.idx.msk [tilespmem:v28+s22+$0x0], $0xffff  }
0x8c: {  	v38 =	vmul.f32 v39, v15;
	v27 =	vmul.f32 v27, v17;
	v26 =	vld.idx.msk [tilespmem:v26+s22+$0x0], $0xffff  }
0x8d: {  	v7 =	vmul.f32 v29, v23;
	v10 =	vmul.f32 v30, v22;
	v15 =	vld.idx.msk [tilespmem:v25+s22+$0x0], $0xffff  }
0x8e: {  	v11 =	vmul.f32 v31, v21;
	v17 =	vmul.f32 v32, v20;
	v20 =	vld.idx.msk [tilespmem:v24+s22+$0x0], $0xffff  }
0x8f: {  	v18 =	vadd.f32 v7, v18;
	v16 =	vadd.f32 v10, v16;
	v19 =	vmul.f32 v33, v19;
	v21 =	vld [tilespmem:s29+$0xDC80];
	s29 =	sshra.s32 s30, $0x2  }
0x90: {  	v12 =	vadd.f32 v11, v12;
	v9 =	vadd.f32 v17, v9;
	v13 =	vmul.f32 v34, v13;
	v7 =	vld [tilespmem:s29+$0xDC10]  }
0x91: {  	v18 =	vadd.f32 v35, v18;
	v16 =	vadd.f32 v37, v16;
	v8 =	vmul.f32 v28, v8;
	v10 =	vld [tilespmem:s29+$0xDC20]  }
0x92: {  	v12 =	vadd.f32 v36, v12;
	v4 =	vmul.f32 v26, v4;
	v9 =	vadd.f32 v14, v9;
	v11 =	vld [tilespmem:s29+$0xDC30]  }
0x93: {  	v5 =	vadd.f32 v19, v5;
	v6 =	vadd.f32 v13, v6;
	v13 =	vmul.f32 v15, v1;
	v14 =	vld [tilespmem:s29+$0xDC40]  }
0x94: {  	v3 =	vadd.f32 v8, v3;
	v2 =	vadd.f32 v4, v2;
	v15 =	vld [tilespmem:s29+$0xDC50];
	v4 =	vmul.f32 v20, v21  }
0x95: {  	v5 =	vadd.f32 v38, v5;
	v6 =	vadd.f32 v27, v6;
	v17 =	vld [tilespmem:s29+$0xDC60]  }
0x96: {  	v3 =	vadd.f32 v13, v3;
	v1 =	vld [tilespmem:s29+$0xDC70];
	v2 =	vadd.f32 v4, v2  }
0x97: {  	v23 =	vld [tilespmem:s29+$0xDB90]  }
0x98: {  	v22 =	vld [tilespmem:s29+$0xDBA0]  }
0x99: {  	v21 =	vld [tilespmem:s29+$0xDBB0]  }
0x9a: {  	v20 =	vld [tilespmem:s29+$0xDBC0]  }
0x9b: {  	v19 =	vld [tilespmem:s29+$0xDBD0]  }
0x9c: {  	v13 =	vld [tilespmem:s29+$0xDBE0]  }
0x9d: {  	v8 =	vld [tilespmem:s29+$0xDBF0]  }
0x9e: {  	v4 =	vld [tilespmem:s29+$0xDC00]  }
0x9f: {  	v35 =	vld [tilespmem:s29+$0x1410]  }
0xa0: {  	v36 =	vld [tilespmem:s29+$0x1420]  }
0xa1: {  	v38 =	vld [tilespmem:s29+$0x1430]  }
0xa2: {  	v39 =	vld [tilespmem:s29+$0x1440]  }
0xa3: {  	v40 =	vld [tilespmem:s29+$0x1450]  }
0xa4: {  	v27 =	vld [tilespmem:s29+$0x1460]  }
0xa5: {  	v25 =	vld [tilespmem:s29+$0x1470]  }
0xa6: {  	v24 =	vld [tilespmem:s29+$0x1480]  }
0xa7: {  	v29 =	vld [tilespmem:s29+$0x1390]  }
0xa8: {  	v30 =	vld [tilespmem:s29+$0x13A0]  }
0xa9: {  	v31 =	vld [tilespmem:s29+$0x13B0]  }
0xaa: {  	v32 =	vld [tilespmem:s29+$0x13C0]  }
0xab: {  	v33 =	vld [tilespmem:s29+$0x13D0]  }
0xac: {  	v34 =	vld [tilespmem:s29+$0x13E0]  }
0xad: {  	v28 =	vld [tilespmem:s29+$0x13F0]  }
0xae: {  	v26 =	vld [tilespmem:s29+$0x1400]  }
.Ltmp1:
0xaf: {  	v35 =	vld.idx.msk [tilespmem:v35+s22+$0x0], $0xffff;
	(pc) =	sbr.rel @p1 .LBB2_5-.Ltmp1, $4  }
0xb0: {  	v37 =	vld.idx.msk [tilespmem:v36+s22+$0x0], $0xffff  }
0xb1: {  	v36 =	vld.idx.msk [tilespmem:v38+s22+$0x0], $0xffff  }
0xb2: {  	v38 =	vld.idx.msk [tilespmem:v39+s22+$0x0], $0xffff  }
0xb3: {  	s30 =	sadd.s32 $0x400, s30;
	v39 =	vld.idx.msk [tilespmem:v40+s22+$0x0], $0xffff  }
0xb4: {  	_ =	sdelay $0x3  }
0xb5: {  	v27 =	vld.idx.msk [tilespmem:v27+s22+$0x0], $0xffff  }
0xb6: {  	v29 =	vld.idx.msk [tilespmem:v29+s22+$0x0], $0xffff  }
0xb7: {  	v30 =	vld.idx.msk [tilespmem:v30+s22+$0x0], $0xffff  }
0xb8: {  	v31 =	vld.idx.msk [tilespmem:v31+s22+$0x0], $0xffff  }
0xb9: {  	v32 =	vld.idx.msk [tilespmem:v32+s22+$0x0], $0xffff  }
0xba: {  	v33 =	vld.idx.msk [tilespmem:v33+s22+$0x0], $0xffff  }
0xbb: {  	v34 =	vld.idx.msk [tilespmem:v34+s22+$0x0], $0xffff;
	v7 =	vmul.f32 v35, v7;
	v10 =	vmul.f32 v37, v10  }
0xbc: {  	v28 =	vld.idx.msk [tilespmem:v28+s22+$0x0], $0xffff;
	v11 =	vmul.f32 v36, v11;
	v23 =	vmul.f32 v29, v23  }
0xbd: {  	v26 =	vld.idx.msk [tilespmem:v26+s22+$0x0], $0xffff;
	v15 =	vmul.f32 v39, v15;
	v22 =	vmul.f32 v30, v22  }
0xbe: {  	v25 =	vld.idx.msk [tilespmem:v25+s22+$0x0], $0xffff;
	v21 =	vmul.f32 v31, v21;
	v17 =	vmul.f32 v27, v17;
	v18 =	vadd.f32 v23, v18  }
0xbf: {  	v20 =	vmul.f32 v32, v20;
	v19 =	vmul.f32 v33, v19;
	v23 =	vld.idx.msk [tilespmem:v24+s22+$0x0], $0xffff;
	v16 =	vadd.f32 v22, v16  }
0xc0: {  	v13 =	vmul.f32 v34, v13;
	v22 =	vld [tilespmem:s29+$0xDC80];
	v12 =	vadd.f32 v21, v12;
	s29 =	sshll.u32 s28, $0x8;
	v7 =	vadd.f32 v7, v18  }
0xc1: {  	v8 =	vmul.f32 v28, v8;
	v5 =	vadd.f32 v19, v5;
	s29 =	sand.u32 $0x3FFFFF00, s29;
	v10 =	vadd.f32 v10, v16  }
0xc2: {  	v4 =	vmul.f32 v26, v4;
	v6 =	vadd.f32 v13, v6;
	v11 =	vadd.f32 v11, v12;
	[tilespmem:s29+$0x1A480] =	vst v7  }
0xc3: {  	v1 =	vmul.f32 v25, v1;
	v3 =	vadd.f32 v8, v3;
	v5 =	vadd.f32 v15, v5;
	[tilespmem:s29+$0x1A490] =	vst v10  }
0xc4: {  	v14 =	vmul.f32 v38, v14;
	v9 =	vadd.f32 v20, v9;
	v6 =	vadd.f32 v17, v6;
	[tilespmem:s29+$0x1A4A0] =	vst v11  }
0xc5: {  	v2 =	vadd.f32 v4, v2;
	v1 =	vadd.f32 v1, v3;
	[tilespmem:s29+$0x1A4C0] =	vst v5;
	v4 =	vmul.f32 v23, v22  }
0xc6: {  	v7 =	vadd.f32 v14, v9;
	[tilespmem:s29+$0x1A4D0] =	vst v6  }
0xc7: {  	s28 =	sshll.u32 s28, $0x7;
	[tilespmem:s29+$0x1A4E0] =	vst v1;
	v2 =	vadd.f32 v4, v2  }
0xc8: {  	s28 =	sor.u32 s10, s28;
	[tilespmem:s29+$0x1A4B0] =	vst v7  }
0xc9: {  	[tilespmem:s29+$0x1A4F0] =	vst v2;
	s29 =	sadd.s32 s1, s28  }
0xca: {  	[tilespmem:s17], [sflag:$0x1] =	stream.strided.gather [hbm4b:s29+s15], $0x6400, s16, s15, $0x38;
	[tilespmem:$0x1A680] =	vst v63  }
0xcb: {  	s28 =	sadd.s32 s2, s28  }
0xcc: {  	[tilespmem:s18], [sflag:$0x1] =	stream.strided.gather [hbm4b:s28+s15], $0x6400, s16, s15, $0x38;
	[tilespmem:$0x1A680] =	vst v63  }
0xcd: {  	_ =	swait.ge [sflag:s23], $0x6400  }
0xce: {  	[sflag:s23] =	ssyncset.done $0x0  }
0xcf: {  	[sflag:s23] =	ssyncadd.s32 $0xFFFF9C00  }
0xd0: {  	_ =	swait.ge [sflag:s23], $0x6400  }
0xd1: {  	[sflag:s23] =	ssyncset.done $0x0  }
0xd2: {  	s28 =	simm.s32 $0xF0;
	[sflag:s23] =	ssyncadd.s32 $0xFFFF9C00  }
0xd3: {  	v7 =	vld [tilespmem:s28+$0x14010]  }
0xd4: {  	v9 =	vld [tilespmem:s28+$0x14020]  }
0xd5: {  	v11 =	vld [tilespmem:s28+$0x14030]  }
0xd6: {  	v14 =	vld [tilespmem:s28+$0x14040]  }
0xd7: {  	v15 =	vld [tilespmem:s28+$0x14050]  }
0xd8: {  	v17 =	vld [tilespmem:s28+$0x14060]  }
0xd9: {  	v1 =	vld [tilespmem:s28+$0x14070]  }
0xda: {  	v23 =	vld [tilespmem:s28+$0x13F90]  }
0xdb: {  	v22 =	vld [tilespmem:s28+$0x13FA0]  }
0xdc: {  	v21 =	vld [tilespmem:s28+$0x13FB0]  }
0xdd: {  	v20 =	vld [tilespmem:s28+$0x13FC0]  }
0xde: {  	v19 =	vld [tilespmem:s28+$0x13FD0]  }
0xdf: {  	v13 =	vld [tilespmem:s28+$0x13FE0]  }
0xe0: {  	v8 =	vld [tilespmem:s28+$0x13FF0]  }
0xe1: {  	v4 =	vld [tilespmem:s28+$0x14000]  }
0xe2: {  	v2 =	vld [tilespmem:s28+$0x7810]  }
0xe3: {  	v3 =	vld [tilespmem:s28+$0x7820]  }
0xe4: {  	v5 =	vld [tilespmem:s28+$0x7830]  }
0xe5: {  	v6 =	vld [tilespmem:s28+$0x7840]  }
0xe6: {  	v63 =	vld [tilespmem:s28+$0x7850]  }
0xe7: {  	v27 =	vld [tilespmem:s28+$0x7860]  }
0xe8: {  	v25 =	vld [tilespmem:s28+$0x7870]  }
0xe9: {  	v24 =	vld [tilespmem:s28+$0x7880]  }
0xea: {  	v29 =	vld [tilespmem:s28+$0x7790]  }
0xeb: {  	v30 =	vld [tilespmem:s28+$0x77A0]  }
0xec: {  	v31 =	vld [tilespmem:s28+$0x77B0]  }
0xed: {  	v32 =	vld [tilespmem:s28+$0x77C0]  }
0xee: {  	v33 =	vld [tilespmem:s28+$0x77D0]  }
0xef: {  	v34 =	vld [tilespmem:s28+$0x77E0]  }
0xf0: {  	v28 =	vld [tilespmem:s28+$0x77F0]  }
0xf1: {  	v26 =	vld [tilespmem:s28+$0x7800]  }
0xf2: {  	v35 =	vld.idx.msk [tilespmem:v2+s22+$0x0], $0xffff  }
0xf3: {  	v37 =	vld.idx.msk [tilespmem:v3+s22+$0x0], $0xffff  }
0xf4: {  	v18 =	vimm.f32 $0.0e+00;
	v16 =	vimm.f32 $0.0e+00;
	v36 =	vld.idx.msk [tilespmem:v5+s22+$0x0], $0xffff  }
0xf5: {  	v12 =	vimm.f32 $0.0e+00;
	v10 =	vimm.f32 $0.0e+00;
	v38 =	vld.idx.msk [tilespmem:v6+s22+$0x0], $0xffff;
	v6 =	vimm.f32 $0.0e+00  }
0xf6: {  	s29 =	simm.s32 $0x7C0;
	v39 =	vld.idx.msk [tilespmem:v63+s22+$0x0], $0xffff;
	v5 =	vimm.f32 $0.0e+00;
	v3 =	vimm.f32 $0.0e+00;
	v2 =	vimm.f32 $0.0e+00  }
.LBB2_7:
0xf7: {  	p1 =	sne.s32 s29, $0x18FC0;
	v27 =	vld.idx.msk [tilespmem:v27+s22+$0x0], $0xffff  }
0xf8: {  	v29 =	vld.idx.msk [tilespmem:v29+s22+$0x0], $0xffff  }
0xf9: {  	v30 =	vld.idx.msk [tilespmem:v30+s22+$0x0], $0xffff  }
0xfa: {  	v31 =	vld.idx.msk [tilespmem:v31+s22+$0x0], $0xffff  }
0xfb: {  	v32 =	vld.idx.msk [tilespmem:v32+s22+$0x0], $0xffff  }
0xfc: {  	v33 =	vld.idx.msk [tilespmem:v33+s22+$0x0], $0xffff  }
0xfd: {  	v35 =	vmul.f32 v35, v7;
	v37 =	vmul.f32 v37, v9;
	v34 =	vld.idx.msk [tilespmem:v34+s22+$0x0], $0xffff  }
0xfe: {  	v36 =	vmul.f32 v36, v11;
	v14 =	vmul.f32 v38, v14;
	v28 =	vld.idx.msk [tilespmem:v28+s22+$0x0], $0xffff  }
0xff: {  	v38 =	vmul.f32 v39, v15;
	v27 =	vmul.f32 v27, v17;
	v26 =	vld.idx.msk [tilespmem:v26+s22+$0x0], $0xffff  }
0x100: {  	v7 =	vmul.f32 v29, v23;
	v9 =	vmul.f32 v30, v22;
	v15 =	vld.idx.msk [tilespmem:v25+s22+$0x0], $0xffff  }
0x101: {  	v11 =	vmul.f32 v31, v21;
	v17 =	vmul.f32 v32, v20;
	v20 =	vld.idx.msk [tilespmem:v24+s22+$0x0], $0xffff  }
0x102: {  	v18 =	vadd.f32 v7, v18;
	v16 =	vadd.f32 v9, v16;
	v19 =	vmul.f32 v33, v19;
	v21 =	vld [tilespmem:s28+$0x14080];
	s28 =	sshra.s32 s29, $0x2  }
0x103: {  	v12 =	vadd.f32 v11, v12;
	v10 =	vadd.f32 v17, v10;
	v13 =	vmul.f32 v34, v13;
	v7 =	vld [tilespmem:s28+$0x14010]  }
0x104: {  	v18 =	vadd.f32 v35, v18;
	v16 =	vadd.f32 v37, v16;
	v8 =	vmul.f32 v28, v8;
	v9 =	vld [tilespmem:s28+$0x14020]  }
0x105: {  	v12 =	vadd.f32 v36, v12;
	v4 =	vmul.f32 v26, v4;
	v10 =	vadd.f32 v14, v10;
	v11 =	vld [tilespmem:s28+$0x14030]  }
0x106: {  	v6 =	vadd.f32 v19, v6;
	v5 =	vadd.f32 v13, v5;
	v13 =	vmul.f32 v15, v1;
	v14 =	vld [tilespmem:s28+$0x14040]  }
0x107: {  	v3 =	vadd.f32 v8, v3;
	v2 =	vadd.f32 v4, v2;
	v15 =	vld [tilespmem:s28+$0x14050];
	v4 =	vmul.f32 v20, v21  }
0x108: {  	v6 =	vadd.f32 v38, v6;
	v5 =	vadd.f32 v27, v5;
	v17 =	vld [tilespmem:s28+$0x14060]  }
0x109: {  	v3 =	vadd.f32 v13, v3;
	v1 =	vld [tilespmem:s28+$0x14070];
	v2 =	vadd.f32 v4, v2  }
0x10a: {  	v23 =	vld [tilespmem:s28+$0x13F90]  }
0x10b: {  	v22 =	vld [tilespmem:s28+$0x13FA0]  }
0x10c: {  	v21 =	vld [tilespmem:s28+$0x13FB0]  }
0x10d: {  	v20 =	vld [tilespmem:s28+$0x13FC0]  }
0x10e: {  	v19 =	vld [tilespmem:s28+$0x13FD0]  }
0x10f: {  	v13 =	vld [tilespmem:s28+$0x13FE0]  }
0x110: {  	v8 =	vld [tilespmem:s28+$0x13FF0]  }
0x111: {  	v4 =	vld [tilespmem:s28+$0x14000]  }
0x112: {  	v35 =	vld [tilespmem:s28+$0x7810]  }
0x113: {  	v36 =	vld [tilespmem:s28+$0x7820]  }
0x114: {  	v38 =	vld [tilespmem:s28+$0x7830]  }
0x115: {  	v39 =	vld [tilespmem:s28+$0x7840]  }
0x116: {  	v40 =	vld [tilespmem:s28+$0x7850]  }
0x117: {  	v27 =	vld [tilespmem:s28+$0x7860]  }
0x118: {  	v25 =	vld [tilespmem:s28+$0x7870]  }
0x119: {  	v24 =	vld [tilespmem:s28+$0x7880]  }
0x11a: {  	v29 =	vld [tilespmem:s28+$0x7790]  }
0x11b: {  	v30 =	vld [tilespmem:s28+$0x77A0]  }
0x11c: {  	v31 =	vld [tilespmem:s28+$0x77B0]  }
0x11d: {  	v32 =	vld [tilespmem:s28+$0x77C0]  }
0x11e: {  	v33 =	vld [tilespmem:s28+$0x77D0]  }
0x11f: {  	v34 =	vld [tilespmem:s28+$0x77E0]  }
0x120: {  	v28 =	vld [tilespmem:s28+$0x77F0]  }
0x121: {  	v26 =	vld [tilespmem:s28+$0x7800]  }
.Ltmp2:
0x122: {  	v35 =	vld.idx.msk [tilespmem:v35+s22+$0x0], $0xffff;
	(pc) =	sbr.rel @p1 .LBB2_7-.Ltmp2, $4  }
0x123: {  	v37 =	vld.idx.msk [tilespmem:v36+s22+$0x0], $0xffff  }
0x124: {  	v36 =	vld.idx.msk [tilespmem:v38+s22+$0x0], $0xffff  }
0x125: {  	v38 =	vld.idx.msk [tilespmem:v39+s22+$0x0], $0xffff  }
0x126: {  	s29 =	sadd.s32 $0x400, s29;
	v39 =	vld.idx.msk [tilespmem:v40+s22+$0x0], $0xffff  }
0x127: {  	_ =	sdelay $0x3  }
0x128: {  	v27 =	vld.idx.msk [tilespmem:v27+s22+$0x0], $0xffff  }
0x129: {  	v29 =	vld.idx.msk [tilespmem:v29+s22+$0x0], $0xffff  }
0x12a: {  	v30 =	vld.idx.msk [tilespmem:v30+s22+$0x0], $0xffff  }
0x12b: {  	v31 =	vld.idx.msk [tilespmem:v31+s22+$0x0], $0xffff  }
0x12c: {  	v32 =	vld.idx.msk [tilespmem:v32+s22+$0x0], $0xffff  }
0x12d: {  	v33 =	vld.idx.msk [tilespmem:v33+s22+$0x0], $0xffff  }
0x12e: {  	v34 =	vld.idx.msk [tilespmem:v34+s22+$0x0], $0xffff;
	v7 =	vmul.f32 v35, v7;
	v9 =	vmul.f32 v37, v9  }
0x12f: {  	v28 =	vld.idx.msk [tilespmem:v28+s22+$0x0], $0xffff;
	v11 =	vmul.f32 v36, v11;
	v23 =	vmul.f32 v29, v23  }
0x130: {  	v26 =	vld.idx.msk [tilespmem:v26+s22+$0x0], $0xffff;
	v14 =	vmul.f32 v38, v14;
	v22 =	vmul.f32 v30, v22  }
0x131: {  	v25 =	vld.idx.msk [tilespmem:v25+s22+$0x0], $0xffff;
	v15 =	vmul.f32 v39, v15;
	v21 =	vmul.f32 v31, v21;
	v18 =	vadd.f32 v23, v18  }
0x132: {  	v60 =	vld.idx.msk [tilespmem:v24+s22+$0x0], $0xffff;
	v17 =	vmul.f32 v27, v17;
	v20 =	vmul.f32 v32, v20;
	v16 =	vadd.f32 v22, v16  }
0x133: {  	v61 =	vld [tilespmem:s28+$0x14080];
	v19 =	vmul.f32 v33, v19;
	v12 =	vadd.f32 v21, v12;
	v7 =	vadd.f32 v7, v18  }
0x134: {  	s26 =	sand.u32 $0x3FFFFF80, s26;
	v13 =	vmul.f32 v34, v13;
	v10 =	vadd.f32 v20, v10;
	v9 =	vadd.f32 v9, v16  }
0x135: {  	v8 =	vmul.f32 v28, v8;
	v6 =	vadd.f32 v19, v6;
	v11 =	vadd.f32 v11, v12;
	[tilespmem:s26+$0x1A480] =	vst v7  }
0x136: {  	v4 =	vmul.f32 v26, v4;
	v5 =	vadd.f32 v13, v5;
	v62 =	vadd.f32 v14, v10;
	[tilespmem:s26+$0x1A490] =	vst v9  }
0x137: {  	v1 =	vmul.f32 v25, v1;
	v3 =	vadd.f32 v8, v3;
	v6 =	vadd.f32 v15, v6;
	[tilespmem:s26+$0x1A4A0] =	vst v11  }
.Ltmp3:
0x138: {  	v63 =	vmul.f32 v60, v61;
	v2 =	vadd.f32 v4, v2;
	v5 =	vadd.f32 v17, v5;
	[tilespmem:s26+$0x1A4B0] =	vst v62;
	(pc) =	sbr.rel @p0 .LBB2_4-.Ltmp3, $4  }
0x139: {  	v1 =	vadd.f32 v1, v3;
	[tilespmem:s26+$0x1A4C0] =	vst v6  }
0x13a: {  	v2 =	vadd.f32 v63, v2;
	[tilespmem:s26+$0x1A4D0] =	vst v5  }
0x13b: {  	[tilespmem:s26+$0x1A4E0] =	vst v1  }
0x13c: {  	s28 =	simm.s32 $0x1;
	p1 =	por $0x0, $0x0;
	[tilespmem:s26+$0x1A4F0] =	vst v2  }
0x13d: {  	_ =	swait.ge [sflag:s21], $0x6400  }
0x13e: {  	[sflag:s21] =	ssyncset.done $0x0  }
0x13f: {  	[sflag:s21] =	ssyncadd.s32 $0xFFFF9C00  }
0x140: {  	s25 =	sadd.s32 $0x1, s25;
	_ =	swait.ge [sflag:s21], $0x6400  }
0x141: {  	p0 =	sne.s32 s25, s12;
	[sflag:s21] =	ssyncset.done $0x0  }
.Ltmp4:
0x142: {  	[sflag:s21] =	ssyncadd.s32 $0xFFFF9C00;
	(pc) =	sbr.rel @p0 .LBB2_1-.Ltmp4, $4  }
0x143: {  	[hbm4b:s11+s5] =	stream.linear.scatter [tilespmem:s24], [sflag:$0x3], $0x200, $0x38;
	[tilespmem:$0x1A680] =	vst v63  }
0x144: {  	_ =	swait.ge [sflag:s13], $0x200  }
0x145: {  	[sflag:s13] =	ssyncset.done $0x0  }
0x146: {  	[sflag:s13] =	ssyncadd.s32 $0xFFFFFE00  }
0x147: {  	_ =	sfence.sel $0x180000  }
0x148: {  	[bflag:$0x0] =	sbarrier.arrive $0xFFFF  }
0x149: {  	p0 =	sne.s32 s4, $0x0;
	_ =	strace $0x90000047  }
0x14a: {  	s0 =	sadd.s32 @!p0 $0x100000, s0;
	[bflag:$0x2] =	sbarrier.arrive $0xFFFF  }
0x14b: {  	[sflag:s0] =	ssyncadd.tile.s32 @!p0 $0x1;
	_ =	shalt  }
.Lfunc_end2:
_tile_overlayer_lowered:
.L_overlay_start_2:
0x14c: {  	(tag) =	ssettag $0x2  }
0x14d: {  	s0 =	rddreg [dreg:$0x0];
	s2 =	stileid.u32  }
0x14e: {  	s1 =	rddreg [dreg:$0x1];
	p0 =	sne.s32 s2, $0x0  }
0x14f: {  	s3 =	rddreg [dreg:$0x2];
	[bflag:$0x3] =	sbarrier.arrive $0xFFFF;
	s2 =	simm.s32 @!p0 $0x1C03  }
0x150: {  	[timem:s3], [sflag:s2] =	dma.local @!p0 [hbm:s0], s1  }
0x151: {  	s0 =	simm.s32 @!p0 $0x3  }
0x152: {  	_ =	swait.ge @!p0 [sflag:s0], s1  }
0x153: {  	s1 =	ssub.s32 @!p0 $0x0, s1;
	[sflag:s0] =	ssyncset.done @!p0 $0x0  }
0x154: {  	[sflag:s0] =	ssyncadd.s32 @!p0 s1  }
0x155: {  	[bflag:$0x3] =	sbarrier.arrive $0xFFFF  }
0x156: {  	_ =	shalt  }

</sc_bundles>
